<compile_context>
chip_gen: v7x
topology: tpu7x:2x2x1
jax: 0.10.2.dev20260603
libtpu: 0.0.44.dev20260713+nightly
codegen_flags: <defaults>
</compile_context>

<pallas_src>
import functools

import jax
import jax.numpy as jnp
from jax import lax
from jax.experimental import pallas as pl
from jax.experimental.pallas import tpu as pltpu
from jax.experimental.pallas import tpu_sc as plsc

N = 10000
E = 320000
D = 128
R = 16
NB = 8

NC = 2
NS = 16
NW = NC * NS
EPT = E // NW
C = 80
K = EPT // C
NPAD = 10240
RPS = NPAD // NS
EL = E // D


TN = 400


def _transform_body(wc_ref, w3_ref, rw_ref, bias_ref, ei_ref, rel_ref, h_ref,
                    t_ref, root_ref, key_ref, wt_ref):
    i = pl.program_id(0)

    @pl.when(i == 0)
    def _():
        for r in range(R):
            acc = wc_ref[r, 0] * w3_ref[0]
            for b in range(1, NB):
                acc = acc + wc_ref[r, b] * w3_ref[b]
            wt_ref[:, r * D:(r + 1) * D] = acc
        key_ref[...] = ei_ref[0] * R + rel_ref[...]

    h = h_ref[...].astype(jnp.bfloat16)
    t_ref[...] = jnp.dot(h, wt_ref[...].astype(jnp.bfloat16),
                         preferred_element_type=jnp.float32)
    root_ref[...] = (jnp.dot(h, rw_ref[...].astype(jnp.bfloat16),
                             preferred_element_type=jnp.float32)
                     + bias_ref[...])


def _transform(w_comp, weight3, root_weight, bias2d, ei3, rel2, h):
    return pl.pallas_call(
        _transform_body,
        grid=(N // TN,),
        in_specs=[
            pl.BlockSpec(memory_space=pltpu.SMEM),
            pl.BlockSpec((NB, D, D), lambda i: (0, 0, 0)),
            pl.BlockSpec((D, D), lambda i: (0, 0)),
            pl.BlockSpec((1, D), lambda i: (0, 0)),
            pl.BlockSpec((2, EL, D), lambda i: (0, 0, 0)),
            pl.BlockSpec((EL, D), lambda i: (0, 0)),
            pl.BlockSpec((TN, D), lambda i: (i, 0)),
        ],
        out_specs=[
            pl.BlockSpec((TN, R * D), lambda i: (i, 0)),
            pl.BlockSpec((TN, D), lambda i: (i, 0)),
            pl.BlockSpec((EL, D), lambda i: (0, 0)),
        ],
        out_shape=[
            jax.ShapeDtypeStruct((N, R * D), jnp.float32),
            jax.ShapeDtypeStruct((N, D), jnp.float32),
            jax.ShapeDtypeStruct((EL, D), jnp.int32),
        ],
        scratch_shapes=[pltpu.VMEM((D, R * D), jnp.float32)],
    )(w_comp, weight3, root_weight, bias2d, ei3, rel2, h)


def _sc_body(table_hbm, key2_hbm, dst3_hbm, zrows_hbm, out_hbm,
             keys1, dst2, rows0, rows1, acc, semg0, semg1):
    c = lax.axis_index("c")
    s = lax.axis_index("s")
    wid = s * NC + c
    pltpu.sync_copy(key2_hbm.at[wid], keys1)
    pltpu.sync_copy(dst3_hbm.at[1, wid], dst2)
    pltpu.sync_copy(zrows_hbm, rows0)
    for q in range(RPS // C):
        pltpu.sync_copy(rows0, acc.at[pl.ds(s * RPS + q * C, C)])
    plsc.subcore_barrier()

    pltpu.async_copy(table_hbm.at[keys1.at[pl.ds(0, C)]], rows0, semg0)

    def pair(p, carry):
        j0 = 2 * p
        pltpu.async_copy(table_hbm.at[keys1.at[pl.ds((j0 + 1) * C, C)]], rows1, semg1)
        pltpu.make_async_copy(table_hbm.at[keys1.at[pl.ds(j0 * C, C)]], rows0, semg0).wait()
        pltpu.sync_copy(rows0, acc.at[dst2.at[j0]], add=True)
        pltpu.async_copy(table_hbm.at[keys1.at[pl.ds((j0 + 2) * C, C)]], rows0, semg0)
        pltpu.make_async_copy(table_hbm.at[keys1.at[pl.ds((j0 + 1) * C, C)]], rows1,
                              semg1).wait()
        pltpu.sync_copy(rows1, acc.at[dst2.at[j0 + 1]], add=True)
        return carry

    lax.fori_loop(0, (K - 1) // 2, pair, 0)
    pltpu.make_async_copy(table_hbm.at[keys1.at[pl.ds((K - 1) * C, C)]], rows0, semg0).wait()
    pltpu.sync_copy(rows0, acc.at[dst2.at[K - 1]], add=True)
    plsc.subcore_barrier()
    pltpu.sync_copy(acc.at[pl.ds(s * RPS, RPS)],
                    out_hbm.at[c, pl.ds(s * RPS, RPS)])


@functools.cache
def _sc_edge_agg():
    mesh = plsc.VectorSubcoreMesh(core_axis_name="c", subcore_axis_name="s",
                                  num_cores=NC, num_subcores=NS)
    return pl.kernel(
        _sc_body,
        out_type=jax.ShapeDtypeStruct((NC, NPAD, D), jnp.float32),
        mesh=mesh,
        scratch_types=[
            pltpu.VMEM((EPT,), jnp.int32),
            pltpu.VMEM((K, C), jnp.int32),
            pltpu.VMEM((C, D), jnp.float32),
            pltpu.VMEM((C, D), jnp.float32),
            pltpu.VMEM_SHARED((NPAD, D), jnp.float32),
            pltpu.SemaphoreType.DMA,
            pltpu.SemaphoreType.DMA,
        ],
    )


TF = 1000


def _final_body(root_ref, o_ref, out_ref):
    out_ref[...] = root_ref[...] + o_ref[0] + o_ref[1]


def _final(root_pb, o):
    return pl.pallas_call(
        _final_body,
        grid=(N // TF,),
        in_specs=[
            pl.BlockSpec((TF, D), lambda i: (i, 0)),
            pl.BlockSpec((NC, TF, D), lambda i: (0, i, 0)),
        ],
        out_specs=pl.BlockSpec((TF, D), lambda i: (i, 0)),
        out_shape=jax.ShapeDtypeStruct((N, D), jnp.float32),
    )(root_pb, o)


def kernel(h, edge_index, rel_type, weight, w_comp, root_weight, bias):
    ei = edge_index.astype(jnp.int32)
    rel = rel_type.astype(jnp.int32)

    t, root_pb, key = _transform(w_comp, weight, root_weight,
                                 bias.reshape(1, D), ei.reshape(2, EL, D),
                                 rel.reshape(EL, D), h)
    table = t.reshape(N * R, D)
    key2 = key.reshape(NW, EPT)
    dst3 = ei.reshape(2, NW, K, C)
    zrows = jnp.zeros((C, D), jnp.float32)

    o = _sc_edge_agg()(table, key2, dst3, zrows)

    return _final(root_pb, o)

# --- scband reference (transcript-rebuilt; emitter-appended) ---
"""Pipeline reference for scband-rgcnlayer-39719857553723 (READ-ONLY COPY).

The authoritative reference and input builder live on the scoring server;
editing this copy changes nothing except your own understanding.
"""

import jax, jax.numpy as jnp
import numpy as np

N = 10000
E = 320000
D_IN = 128
D_OUT = 128
NUM_RELS = 16
NUM_BASES = 8


def _xavier(key, shape, fan_in, fan_out, gain):
    a = gain * np.sqrt(6.0 / (fan_in + fan_out))
    return jax.random.uniform(key, shape, minval=-a, maxval=a, dtype=jnp.float32)


def setup_inputs(seed: int = 0) -> dict:
    key = jax.random.key(seed)
    k0, k1, k2, k3, k4, k5 = jax.random.split(key, 6)
    gain = np.sqrt(2.0)  # calculate_gain('relu')
    h = jax.random.normal(k0, (N, D_IN), dtype=jnp.float32)
    edge_index = jax.random.randint(k1, (2, E), 0, N, dtype=jnp.int64)
    rel_type = jax.random.randint(k2, (E,), 0, NUM_RELS, dtype=jnp.int64)
    # weight: (num_bases, in_feat, out_feat); torch xavier on last two dims
    weight = _xavier(k3, (NUM_BASES, D_IN, D_OUT), D_IN, D_OUT, gain)
    root_weight = _xavier(k4, (D_IN, D_OUT), D_IN, D_OUT, gain)
    w_comp = _xavier(k5, (NUM_RELS, NUM_BASES), NUM_BASES, NUM_RELS, gain)
    bias = jnp.zeros((D_OUT,), dtype=jnp.float32)
    return {
        'h': h,
        'edge_index': edge_index,
        'rel_type': rel_type,
        'weight': weight,
        'w_comp': w_comp,
        'root_weight': root_weight,
        'bias': bias,
    }


def reference(h, edge_index, rel_type, weight, w_comp, root_weight, bias):
    # basis decomposition: W_r = sum_b w_comp[r, b] * weight[b]
    w = jnp.matmul(w_comp, weight.reshape(NUM_BASES, -1)).reshape(NUM_RELS, D_IN, D_OUT)
    src = edge_index[0]
    dst = edge_index[1]
    # message: msg_e = h[src_e] @ W[rel_e]
    # computed as per-(node, relation) transform then gathered per edge
    transformed = jnp.einsum('nd,rde->nre', h, w)  # [N, R, D_OUT]
    msg = transformed[src, rel_type]  # [E, D_OUT]
    # fn.sum(msg='msg', out='o'): scatter-add messages to dst nodes
    o = jax.ops.segment_sum(msg, dst, num_segments=N)
    # apply_func: h' = h @ root_weight + o + bias  (activation is None)
    out = jnp.matmul(h, root_weight) + o + bias
    return out

if __name__ == "__main__":
    import jax
    _d = setup_inputs()
    print(jax.jit(kernel)(*tuple(_d.values())))

</pallas_src>

<mosaic_0001>
#map = affine_map<(d0, d1) -> (0, 0)>
#map1 = affine_map<(d0, d1) -> (0, 0, 0, 0)>
#map2 = affine_map<(d0, d1) -> (0, 0, 0)>
module attributes {stable_mosaic.version = 14 : i64} {
  func.func @_sc_body(%arg0: i32, %arg1: i32, %arg2: memref<160000x128xf32, #tpu.memory_space<hbm>>, %arg3: memref<32x10000xi32, #tpu.memory_space<hbm>>, %arg4: memref<2x32x125x80xi32, #tpu.memory_space<hbm>>, %arg5: memref<80x128xf32, #tpu.memory_space<hbm>>, %arg6: memref<2x10240x128xf32, #tpu.memory_space<hbm>>, %arg7: memref<10000xi32, #tpu.memory_space<vmem>>, %arg8: memref<125x80xi32, #tpu.memory_space<vmem>>, %arg9: memref<80x128xf32, #tpu.memory_space<vmem>>, %arg10: memref<80x128xf32, #tpu.memory_space<vmem>>, %arg11: memref<10240x128xf32, #tpu.memory_space<vmem_shared>>, %arg12: memref<!tpu.dma_semaphore, #tpu.memory_space<semaphore_mem>>, %arg13: memref<!tpu.dma_semaphore, #tpu.memory_space<semaphore_mem>>) attributes {dimension_semantics = [#tpu.dimension_semantics<core_parallel>, #tpu.dimension_semantics<subcore_parallel>], iteration_bounds = array<i64: 2, 16>, scalar_prefetch = 0 : i64, scratch_operands = 7 : i64, tpu.core_type = #tpu.core_type<sc_vector_subcore>, window_params = [{transform_indices = #map}, {transform_indices = #map}, {transform_indices = #map1}, {transform_indices = #map}, {transform_indices = #map2}]} {
    %mul3A = arith.constant 2 : i32
    %mul3A_0 = arith.muli %arg1, %mul3A : i32
    %add3A = arith.addi %mul3A_0, %arg0 : i32
    "tpu.region"() ({
      %run_scoped3A_52 = tpu.sem_alloc : memref<!tpu.dma_semaphore, #tpu.memory_space<semaphore_mem>>
      %dma_start3A_53 = arith.constant 0 : i32
      %dma_start3A_54 = tpu.memref_slice %arg3[%add3A, %dma_start3A_53] : memref<32x10000xi32, #tpu.memory_space<hbm>> -> memref<1x10000xi32, #tpu.memory_space<hbm>>
      %dma_start3A_55 = tpu.memref_squeeze %dma_start3A_54 : memref<1x10000xi32, #tpu.memory_space<hbm>> -> memref<10000xi32, #tpu.memory_space<hbm>>
      %dma_start3A_56 = arith.constant 0 : i32
      %dma_start3A_57 = tpu.memref_slice %arg3[%add3A, %dma_start3A_56] : memref<32x10000xi32, #tpu.memory_space<hbm>> -> memref<1x10000xi32, #tpu.memory_space<hbm>>
      %dma_start3A_58 = tpu.memref_squeeze %dma_start3A_57 : memref<1x10000xi32, #tpu.memory_space<hbm>> -> memref<10000xi32, #tpu.memory_space<hbm>>
      tpu.enqueue_dma source(%dma_start3A_58 : memref<10000xi32, #tpu.memory_space<hbm>>) target(%arg7 : memref<10000xi32, #tpu.memory_space<vmem>>) target_semaphore(%run_scoped3A_52 : memref<!tpu.dma_semaphore, #tpu.memory_space<semaphore_mem>>)
      %dma_wait3A_59 = arith.constant 0 : i32
      %dma_wait3A_60 = tpu.memref_slice %arg3[%add3A, %dma_wait3A_59] : memref<32x10000xi32, #tpu.memory_space<hbm>> -> memref<1x10000xi32, #tpu.memory_space<hbm>>
      %dma_wait3A_61 = tpu.memref_squeeze %dma_wait3A_60 : memref<1x10000xi32, #tpu.memory_space<hbm>> -> memref<10000xi32, #tpu.memory_space<hbm>>
      %dma_wait3A_62 = arith.constant 0 : i32
      %dma_wait3A_63 = tpu.memref_slice %arg3[%add3A, %dma_wait3A_62] : memref<32x10000xi32, #tpu.memory_space<hbm>> -> memref<1x10000xi32, #tpu.memory_space<hbm>>
      %dma_wait3A_64 = tpu.memref_squeeze %dma_wait3A_63 : memref<1x10000xi32, #tpu.memory_space<hbm>> -> memref<10000xi32, #tpu.memory_space<hbm>>
      tpu.wait_dma2 semaphore(%run_scoped3A_52 : memref<!tpu.dma_semaphore, #tpu.memory_space<semaphore_mem>>) src(%dma_wait3A_64 : memref<10000xi32, #tpu.memory_space<hbm>>) dst(%arg7 : memref<10000xi32, #tpu.memory_space<vmem>>)
      tpu.yield
    }) : () -> ()
    %run_scoped3A = arith.constant 1 : i32
    "tpu.region"() ({
      %run_scoped3A_52 = tpu.sem_alloc : memref<!tpu.dma_semaphore, #tpu.memory_space<semaphore_mem>>
      %dma_start3A_53 = arith.constant 0 : i32
      %dma_start3A_54 = arith.constant 0 : i32
      %dma_start3A_55 = tpu.memref_slice %arg4[%run_scoped3A, %add3A, %dma_start3A_53, %dma_start3A_54] : memref<2x32x125x80xi32, #tpu.memory_space<hbm>> -> memref<1x1x125x80xi32, #tpu.memory_space<hbm>>
      %dma_start3A_56 = tpu.memref_squeeze %dma_start3A_55 : memref<1x1x125x80xi32, #tpu.memory_space<hbm>> -> memref<125x80xi32, #tpu.memory_space<hbm>>
      %dma_start3A_57 = arith.constant 0 : i32
      %dma_start3A_58 = arith.constant 0 : i32
      %dma_start3A_59 = tpu.memref_slice %arg4[%run_scoped3A, %add3A, %dma_start3A_57, %dma_start3A_58] : memref<2x32x125x80xi32, #tpu.memory_space<hbm>> -> memref<1x1x125x80xi32, #tpu.memory_space<hbm>>
      %dma_start3A_60 = tpu.memref_squeeze %dma_start3A_59 : memref<1x1x125x80xi32, #tpu.memory_space<hbm>> -> memref<125x80xi32, #tpu.memory_space<hbm>>
      tpu.enqueue_dma source(%dma_start3A_60 : memref<125x80xi32, #tpu.memory_space<hbm>>) target(%arg8 : memref<125x80xi32, #tpu.memory_space<vmem>>) target_semaphore(%run_scoped3A_52 : memref<!tpu.dma_semaphore, #tpu.memory_space<semaphore_mem>>)
      %dma_wait3A_61 = arith.constant 0 : i32
      %dma_wait3A_62 = arith.constant 0 : i32
      %dma_wait3A_63 = tpu.memref_slice %arg4[%run_scoped3A, %add3A, %dma_wait3A_61, %dma_wait3A_62] : memref<2x32x125x80xi32, #tpu.memory_space<hbm>> -> memref<1x1x125x80xi32, #tpu.memory_space<hbm>>
      %dma_wait3A_64 = tpu.memref_squeeze %dma_wait3A_63 : memref<1x1x125x80xi32, #tpu.memory_space<hbm>> -> memref<125x80xi32, #tpu.memory_space<hbm>>
      %dma_wait3A_65 = arith.constant 0 : i32
      %dma_wait3A_66 = arith.constant 0 : i32
      %dma_wait3A_67 = tpu.memref_slice %arg4[%run_scoped3A, %add3A, %dma_wait3A_65, %dma_wait3A_66] : memref<2x32x125x80xi32, #tpu.memory_space<hbm>> -> memref<1x1x125x80xi32, #tpu.memory_space<hbm>>
      %dma_wait3A_68 = tpu.memref_squeeze %dma_wait3A_67 : memref<1x1x125x80xi32, #tpu.memory_space<hbm>> -> memref<125x80xi32, #tpu.memory_space<hbm>>
      tpu.wait_dma2 semaphore(%run_scoped3A_52 : memref<!tpu.dma_semaphore, #tpu.memory_space<semaphore_mem>>) src(%dma_wait3A_68 : memref<125x80xi32, #tpu.memory_space<hbm>>) dst(%arg8 : memref<125x80xi32, #tpu.memory_space<vmem>>)
      tpu.yield
    }) : () -> ()
    "tpu.region"() ({
      %run_scoped3A_52 = tpu.sem_alloc : memref<!tpu.dma_semaphore, #tpu.memory_space<semaphore_mem>>
      tpu.enqueue_dma source(%arg5 : memref<80x128xf32, #tpu.memory_space<hbm>>) target(%arg9 : memref<80x128xf32, #tpu.memory_space<vmem>>) target_semaphore(%run_scoped3A_52 : memref<!tpu.dma_semaphore, #tpu.memory_space<semaphore_mem>>)
      tpu.wait_dma2 semaphore(%run_scoped3A_52 : memref<!tpu.dma_semaphore, #tpu.memory_space<semaphore_mem>>) src(%arg5 : memref<80x128xf32, #tpu.memory_space<hbm>>) dst(%arg9 : memref<80x128xf32, #tpu.memory_space<vmem>>)
      tpu.yield
    }) : () -> ()
    %mul3A_1 = arith.constant 640 : i32
    %mul3A_2 = arith.muli %arg1, %mul3A_1 : i32
    %add3A_3 = arith.constant 0 : i32
    %add3A_4 = arith.addi %mul3A_2, %add3A_3 : i32
    "tpu.region"() ({
      %run_scoped3A_52 = tpu.sem_alloc : memref<!tpu.dma_semaphore, #tpu.memory_space<semaphore_mem>>
      %dma_start3A_53 = arith.constant 0 : i32
      %dma_start3A_54 = tpu.memref_slice %arg11[%add3A_4, %dma_start3A_53] : memref<10240x128xf32, #tpu.memory_space<vmem_shared>> -> memref<80x128xf32, #tpu.memory_space<vmem_shared>>
      %dma_start3A_55 = arith.constant 0 : i32
      %dma_start3A_56 = tpu.memref_slice %arg11[%add3A_4, %dma_start3A_55] : memref<10240x128xf32, #tpu.memory_space<vmem_shared>> -> memref<80x128xf32, #tpu.memory_space<vmem_shared>>
      tpu.enqueue_dma source(%arg9 : memref<80x128xf32, #tpu.memory_space<vmem>>) target(%dma_start3A_56 : memref<80x128xf32, #tpu.memory_space<vmem_shared>>) target_semaphore(%run_scoped3A_52 : memref<!tpu.dma_semaphore, #tpu.memory_space<semaphore_mem>>)
      %dma_wait3A_57 = arith.constant 0 : i32
      %dma_wait3A_58 = tpu.memref_slice %arg11[%add3A_4, %dma_wait3A_57] : memref<10240x128xf32, #tpu.memory_space<vmem_shared>> -> memref<80x128xf32, #tpu.memory_space<vmem_shared>>
      %dma_wait3A_59 = arith.constant 0 : i32
      %dma_wait3A_60 = tpu.memref_slice %arg11[%add3A_4, %dma_wait3A_59] : memref<10240x128xf32, #tpu.memory_space<vmem_shared>> -> memref<80x128xf32, #tpu.memory_space<vmem_shared>>
      tpu.wait_dma2 semaphore(%run_scoped3A_52 : memref<!tpu.dma_semaphore, #tpu.memory_space<semaphore_mem>>) src(%arg9 : memref<80x128xf32, #tpu.memory_space<vmem>>) dst(%dma_wait3A_60 : memref<80x128xf32, #tpu.memory_space<vmem_shared>>)
      tpu.yield
    }) : () -> ()
    %mul3A_5 = arith.constant 640 : i32
    %mul3A_6 = arith.muli %arg1, %mul3A_5 : i32
    %add3A_7 = arith.constant 80 : i32
    %add3A_8 = arith.addi %mul3A_6, %add3A_7 : i32
    "tpu.region"() ({
      %run_scoped3A_52 = tpu.sem_alloc : memref<!tpu.dma_semaphore, #tpu.memory_space<semaphore_mem>>
      %dma_start3A_53 = arith.constant 0 : i32
      %dma_start3A_54 = tpu.memref_slice %arg11[%add3A_8, %dma_start3A_53] : memref<10240x128xf32, #tpu.memory_space<vmem_shared>> -> memref<80x128xf32, #tpu.memory_space<vmem_shared>>
      %dma_start3A_55 = arith.constant 0 : i32
      %dma_start3A_56 = tpu.memref_slice %arg11[%add3A_8, %dma_start3A_55] : memref<10240x128xf32, #tpu.memory_space<vmem_shared>> -> memref<80x128xf32, #tpu.memory_space<vmem_shared>>
      tpu.enqueue_dma source(%arg9 : memref<80x128xf32, #tpu.memory_space<vmem>>) target(%dma_start3A_56 : memref<80x128xf32, #tpu.memory_space<vmem_shared>>) target_semaphore(%run_scoped3A_52 : memref<!tpu.dma_semaphore, #tpu.memory_space<semaphore_mem>>)
      %dma_wait3A_57 = arith.constant 0 : i32
      %dma_wait3A_58 = tpu.memref_slice %arg11[%add3A_8, %dma_wait3A_57] : memref<10240x128xf32, #tpu.memory_space<vmem_shared>> -> memref<80x128xf32, #tpu.memory_space<vmem_shared>>
      %dma_wait3A_59 = arith.constant 0 : i32
      %dma_wait3A_60 = tpu.memref_slice %arg11[%add3A_8, %dma_wait3A_59] : memref<10240x128xf32, #tpu.memory_space<vmem_shared>> -> memref<80x128xf32, #tpu.memory_space<vmem_shared>>
      tpu.wait_dma2 semaphore(%run_scoped3A_52 : memref<!tpu.dma_semaphore, #tpu.memory_space<semaphore_mem>>) src(%arg9 : memref<80x128xf32, #tpu.memory_space<vmem>>) dst(%dma_wait3A_60 : memref<80x128xf32, #tpu.memory_space<vmem_shared>>)
      tpu.yield
    }) : () -> ()
    %mul3A_9 = arith.constant 640 : i32
    %mul3A_10 = arith.muli %arg1, %mul3A_9 : i32
    %add3A_11 = arith.constant 160 : i32
    %add3A_12 = arith.addi %mul3A_10, %add3A_11 : i32
    "tpu.region"() ({
      %run_scoped3A_52 = tpu.sem_alloc : memref<!tpu.dma_semaphore, #tpu.memory_space<semaphore_mem>>
      %dma_start3A_53 = arith.constant 0 : i32
      %dma_start3A_54 = tpu.memref_slice %arg11[%add3A_12, %dma_start3A_53] : memref<10240x128xf32, #tpu.memory_space<vmem_shared>> -> memref<80x128xf32, #tpu.memory_space<vmem_shared>>
      %dma_start3A_55 = arith.constant 0 : i32
      %dma_start3A_56 = tpu.memref_slice %arg11[%add3A_12, %dma_start3A_55] : memref<10240x128xf32, #tpu.memory_space<vmem_shared>> -> memref<80x128xf32, #tpu.memory_space<vmem_shared>>
      tpu.enqueue_dma source(%arg9 : memref<80x128xf32, #tpu.memory_space<vmem>>) target(%dma_start3A_56 : memref<80x128xf32, #tpu.memory_space<vmem_shared>>) target_semaphore(%run_scoped3A_52 : memref<!tpu.dma_semaphore, #tpu.memory_space<semaphore_mem>>)
      %dma_wait3A_57 = arith.constant 0 : i32
      %dma_wait3A_58 = tpu.memref_slice %arg11[%add3A_12, %dma_wait3A_57] : memref<10240x128xf32, #tpu.memory_space<vmem_shared>> -> memref<80x128xf32, #tpu.memory_space<vmem_shared>>
      %dma_wait3A_59 = arith.constant 0 : i32
      %dma_wait3A_60 = tpu.memref_slice %arg11[%add3A_12, %dma_wait3A_59] : memref<10240x128xf32, #tpu.memory_space<vmem_shared>> -> memref<80x128xf32, #tpu.memory_space<vmem_shared>>
      tpu.wait_dma2 semaphore(%run_scoped3A_52 : memref<!tpu.dma_semaphore, #tpu.memory_space<semaphore_mem>>) src(%arg9 : memref<80x128xf32, #tpu.memory_space<vmem>>) dst(%dma_wait3A_60 : memref<80x128xf32, #tpu.memory_space<vmem_shared>>)
      tpu.yield
    }) : () -> ()
    %mul3A_13 = arith.constant 640 : i32
    %mul3A_14 = arith.muli %arg1, %mul3A_13 : i32
    %add3A_15 = arith.constant 240 : i32
    %add3A_16 = arith.addi %mul3A_14, %add3A_15 : i32
    "tpu.region"() ({
      %run_scoped3A_52 = tpu.sem_alloc : memref<!tpu.dma_semaphore, #tpu.memory_space<semaphore_mem>>
      %dma_start3A_53 = arith.constant 0 : i32
      %dma_start3A_54 = tpu.memref_slice %arg11[%add3A_16, %dma_start3A_53] : memref<10240x128xf32, #tpu.memory_space<vmem_shared>> -> memref<80x128xf32, #tpu.memory_space<vmem_shared>>
      %dma_start3A_55 = arith.constant 0 : i32
      %dma_start3A_56 = tpu.memref_slice %arg11[%add3A_16, %dma_start3A_55] : memref<10240x128xf32, #tpu.memory_space<vmem_shared>> -> memref<80x128xf32, #tpu.memory_space<vmem_shared>>
      tpu.enqueue_dma source(%arg9 : memref<80x128xf32, #tpu.memory_space<vmem>>) target(%dma_start3A_56 : memref<80x128xf32, #tpu.memory_space<vmem_shared>>) target_semaphore(%run_scoped3A_52 : memref<!tpu.dma_semaphore, #tpu.memory_space<semaphore_mem>>)
      %dma_wait3A_57 = arith.constant 0 : i32
      %dma_wait3A_58 = tpu.memref_slice %arg11[%add3A_16, %dma_wait3A_57] : memref<10240x128xf32, #tpu.memory_space<vmem_shared>> -> memref<80x128xf32, #tpu.memory_space<vmem_shared>>
      %dma_wait3A_59 = arith.constant 0 : i32
      %dma_wait3A_60 = tpu.memref_slice %arg11[%add3A_16, %dma_wait3A_59] : memref<10240x128xf32, #tpu.memory_space<vmem_shared>> -> memref<80x128xf32, #tpu.memory_space<vmem_shared>>
      tpu.wait_dma2 semaphore(%run_scoped3A_52 : memref<!tpu.dma_semaphore, #tpu.memory_space<semaphore_mem>>) src(%arg9 : memref<80x128xf32, #tpu.memory_space<vmem>>) dst(%dma_wait3A_60 : memref<80x128xf32, #tpu.memory_space<vmem_shared>>)
      tpu.yield
    }) : () -> ()
    %mul3A_17 = arith.constant 640 : i32
    %mul3A_18 = arith.muli %arg1, %mul3A_17 : i32
    %add3A_19 = arith.constant 320 : i32
    %add3A_20 = arith.addi %mul3A_18, %add3A_19 : i32
    "tpu.region"() ({
      %run_scoped3A_52 = tpu.sem_alloc : memref<!tpu.dma_semaphore, #tpu.memory_space<semaphore_mem>>
      %dma_start3A_53 = arith.constant 0 : i32
      %dma_start3A_54 = tpu.memref_slice %arg11[%add3A_20, %dma_start3A_53] : memref<10240x128xf32, #tpu.memory_space<vmem_shared>> -> memref<80x128xf32, #tpu.memory_space<vmem_shared>>
      %dma_start3A_55 = arith.constant 0 : i32
      %dma_start3A_56 = tpu.memref_slice %arg11[%add3A_20, %dma_start3A_55] : memref<10240x128xf32, #tpu.memory_space<vmem_shared>> -> memref<80x128xf32, #tpu.memory_space<vmem_shared>>
      tpu.enqueue_dma source(%arg9 : memref<80x128xf32, #tpu.memory_space<vmem>>) target(%dma_start3A_56 : memref<80x128xf32, #tpu.memory_space<vmem_shared>>) target_semaphore(%run_scoped3A_52 : memref<!tpu.dma_semaphore, #tpu.memory_space<semaphore_mem>>)
      %dma_wait3A_57 = arith.constant 0 : i32
      %dma_wait3A_58 = tpu.memref_slice %arg11[%add3A_20, %dma_wait3A_57] : memref<10240x128xf32, #tpu.memory_space<vmem_shared>> -> memref<80x128xf32, #tpu.memory_space<vmem_shared>>
      %dma_wait3A_59 = arith.constant 0 : i32
      %dma_wait3A_60 = tpu.memref_slice %arg11[%add3A_20, %dma_wait3A_59] : memref<10240x128xf32, #tpu.memory_space<vmem_shared>> -> memref<80x128xf32, #tpu.memory_space<vmem_shared>>
      tpu.wait_dma2 semaphore(%run_scoped3A_52 : memref<!tpu.dma_semaphore, #tpu.memory_space<semaphore_mem>>) src(%arg9 : memref<80x128xf32, #tpu.memory_space<vmem>>) dst(%dma_wait3A_60 : memref<80x128xf32, #tpu.memory_space<vmem_shared>>)
      tpu.yield
    }) : () -> ()
    %mul3A_21 = arith.constant 640 : i32
    %mul3A_22 = arith.muli %arg1, %mul3A_21 : i32
    %add3A_23 = arith.constant 400 : i32
    %add3A_24 = arith.addi %mul3A_22, %add3A_23 : i32
    "tpu.region"() ({
      %run_scoped3A_52 = tpu.sem_alloc : memref<!tpu.dma_semaphore, #tpu.memory_space<semaphore_mem>>
      %dma_start3A_53 = arith.constant 0 : i32
      %dma_start3A_54 = tpu.memref_slice %arg11[%add3A_24, %dma_start3A_53] : memref<10240x128xf32, #tpu.memory_space<vmem_shared>> -> memref<80x128xf32, #tpu.memory_space<vmem_shared>>
      %dma_start3A_55 = arith.constant 0 : i32
      %dma_start3A_56 = tpu.memref_slice %arg11[%add3A_24, %dma_start3A_55] : memref<10240x128xf32, #tpu.memory_space<vmem_shared>> -> memref<80x128xf32, #tpu.memory_space<vmem_shared>>
      tpu.enqueue_dma source(%arg9 : memref<80x128xf32, #tpu.memory_space<vmem>>) target(%dma_start3A_56 : memref<80x128xf32, #tpu.memory_space<vmem_shared>>) target_semaphore(%run_scoped3A_52 : memref<!tpu.dma_semaphore, #tpu.memory_space<semaphore_mem>>)
      %dma_wait3A_57 = arith.constant 0 : i32
      %dma_wait3A_58 = tpu.memref_slice %arg11[%add3A_24, %dma_wait3A_57] : memref<10240x128xf32, #tpu.memory_space<vmem_shared>> -> memref<80x128xf32, #tpu.memory_space<vmem_shared>>
      %dma_wait3A_59 = arith.constant 0 : i32
      %dma_wait3A_60 = tpu.memref_slice %arg11[%add3A_24, %dma_wait3A_59] : memref<10240x128xf32, #tpu.memory_space<vmem_shared>> -> memref<80x128xf32, #tpu.memory_space<vmem_shared>>
      tpu.wait_dma2 semaphore(%run_scoped3A_52 : memref<!tpu.dma_semaphore, #tpu.memory_space<semaphore_mem>>) src(%arg9 : memref<80x128xf32, #tpu.memory_space<vmem>>) dst(%dma_wait3A_60 : memref<80x128xf32, #tpu.memory_space<vmem_shared>>)
      tpu.yield
    }) : () -> ()
    %mul3A_25 = arith.constant 640 : i32
    %mul3A_26 = arith.muli %arg1, %mul3A_25 : i32
    %add3A_27 = arith.constant 480 : i32
    %add3A_28 = arith.addi %mul3A_26, %add3A_27 : i32
    "tpu.region"() ({
      %run_scoped3A_52 = tpu.sem_alloc : memref<!tpu.dma_semaphore, #tpu.memory_space<semaphore_mem>>
      %dma_start3A_53 = arith.constant 0 : i32
      %dma_start3A_54 = tpu.memref_slice %arg11[%add3A_28, %dma_start3A_53] : memref<10240x128xf32, #tpu.memory_space<vmem_shared>> -> memref<80x128xf32, #tpu.memory_space<vmem_shared>>
      %dma_start3A_55 = arith.constant 0 : i32
      %dma_start3A_56 = tpu.memref_slice %arg11[%add3A_28, %dma_start3A_55] : memref<10240x128xf32, #tpu.memory_space<vmem_shared>> -> memref<80x128xf32, #tpu.memory_space<vmem_shared>>
      tpu.enqueue_dma source(%arg9 : memref<80x128xf32, #tpu.memory_space<vmem>>) target(%dma_start3A_56 : memref<80x128xf32, #tpu.memory_space<vmem_shared>>) target_semaphore(%run_scoped3A_52 : memref<!tpu.dma_semaphore, #tpu.memory_space<semaphore_mem>>)
      %dma_wait3A_57 = arith.constant 0 : i32
      %dma_wait3A_58 = tpu.memref_slice %arg11[%add3A_28, %dma_wait3A_57] : memref<10240x128xf32, #tpu.memory_space<vmem_shared>> -> memref<80x128xf32, #tpu.memory_space<vmem_shared>>
      %dma_wait3A_59 = arith.constant 0 : i32
      %dma_wait3A_60 = tpu.memref_slice %arg11[%add3A_28, %dma_wait3A_59] : memref<10240x128xf32, #tpu.memory_space<vmem_shared>> -> memref<80x128xf32, #tpu.memory_space<vmem_shared>>
      tpu.wait_dma2 semaphore(%run_scoped3A_52 : memref<!tpu.dma_semaphore, #tpu.memory_space<semaphore_mem>>) src(%arg9 : memref<80x128xf32, #tpu.memory_space<vmem>>) dst(%dma_wait3A_60 : memref<80x128xf32, #tpu.memory_space<vmem_shared>>)
      tpu.yield
    }) : () -> ()
    %mul3A_29 = arith.constant 640 : i32
    %mul3A_30 = arith.muli %arg1, %mul3A_29 : i32
    %add3A_31 = arith.constant 560 : i32
    %add3A_32 = arith.addi %mul3A_30, %add3A_31 : i32
    "tpu.region"() ({
      %run_scoped3A_52 = tpu.sem_alloc : memref<!tpu.dma_semaphore, #tpu.memory_space<semaphore_mem>>
      %dma_start3A_53 = arith.constant 0 : i32
      %dma_start3A_54 = tpu.memref_slice %arg11[%add3A_32, %dma_start3A_53] : memref<10240x128xf32, #tpu.memory_space<vmem_shared>> -> memref<80x128xf32, #tpu.memory_space<vmem_shared>>
      %dma_start3A_55 = arith.constant 0 : i32
      %dma_start3A_56 = tpu.memref_slice %arg11[%add3A_32, %dma_start3A_55] : memref<10240x128xf32, #tpu.memory_space<vmem_shared>> -> memref<80x128xf32, #tpu.memory_space<vmem_shared>>
      tpu.enqueue_dma source(%arg9 : memref<80x128xf32, #tpu.memory_space<vmem>>) target(%dma_start3A_56 : memref<80x128xf32, #tpu.memory_space<vmem_shared>>) target_semaphore(%run_scoped3A_52 : memref<!tpu.dma_semaphore, #tpu.memory_space<semaphore_mem>>)
      %dma_wait3A_57 = arith.constant 0 : i32
      %dma_wait3A_58 = tpu.memref_slice %arg11[%add3A_32, %dma_wait3A_57] : memref<10240x128xf32, #tpu.memory_space<vmem_shared>> -> memref<80x128xf32, #tpu.memory_space<vmem_shared>>
      %dma_wait3A_59 = arith.constant 0 : i32
      %dma_wait3A_60 = tpu.memref_slice %arg11[%add3A_32, %dma_wait3A_59] : memref<10240x128xf32, #tpu.memory_space<vmem_shared>> -> memref<80x128xf32, #tpu.memory_space<vmem_shared>>
      tpu.wait_dma2 semaphore(%run_scoped3A_52 : memref<!tpu.dma_semaphore, #tpu.memory_space<semaphore_mem>>) src(%arg9 : memref<80x128xf32, #tpu.memory_space<vmem>>) dst(%dma_wait3A_60 : memref<80x128xf32, #tpu.memory_space<vmem_shared>>)
      tpu.yield
    }) : () -> ()
    %barrier3A = arith.constant 0 : index
    tpu.barrier barrier_id(%barrier3A)
    %dma_start3A = arith.constant 0 : i32
    %dma_start3A_33 = tpu.memref_slice %arg7[%dma_start3A] : memref<10000xi32, #tpu.memory_space<vmem>> -> memref<80xi32, #tpu.memory_space<vmem>>
    %dma_start3A_34 = arith.constant 0 : i32
    %dma_start3A_35 = arith.constant 0 : i32
    %dma_start3A_36 = tpu.memref_slice %arg2[%dma_start3A_34, %dma_start3A_35] : memref<160000x128xf32, #tpu.memory_space<hbm>> -> memref<160000x128xf32, #tpu.memory_space<hbm>>
    tpu.enqueue_indirect_dma source(%dma_start3A_36 : memref<160000x128xf32, #tpu.memory_space<hbm>>) target(%arg9 : memref<80x128xf32, #tpu.memory_space<vmem>>) offsets(%dma_start3A_33 : memref<80xi32, #tpu.memory_space<vmem>>) semaphore(%arg12 : memref<!tpu.dma_semaphore, #tpu.memory_space<semaphore_mem>>)
    %scan3A = arith.constant 0 : i32
    %scan3A_37 = arith.constant 0 : i32
    %scan3A_38 = arith.constant 62 : i32
    %scan3A_39 = arith.addi %scan3A_37, %scan3A_38 : i32
    %scan3A_40 = arith.constant 1 : i32
    scf.for %scan3A_52 = %scan3A_37 to %scan3A_39 step %scan3A_40  : i32 {
      %mul3A_53 = arith.constant 2 : i32
      %mul3A_54 = arith.muli %mul3A_53, %scan3A_52 : i32
      %add3A_55 = arith.constant 1 : i32
      %add3A_56 = arith.addi %mul3A_54, %add3A_55 : i32
      %mul3A_57 = arith.constant 80 : i32
      %mul3A_58 = arith.muli %add3A_56, %mul3A_57 : i32
      %dma_start3A_59 = tpu.memref_slice %arg7[%mul3A_58] : memref<10000xi32, #tpu.memory_space<vmem>> -> memref<80xi32, #tpu.memory_space<vmem>>
      %dma_start3A_60 = arith.constant 0 : i32
      %dma_start3A_61 = arith.constant 0 : i32
      %dma_start3A_62 = tpu.memref_slice %arg2[%dma_start3A_60, %dma_start3A_61] : memref<160000x128xf32, #tpu.memory_space<hbm>> -> memref<160000x128xf32, #tpu.memory_space<hbm>>
      tpu.enqueue_indirect_dma source(%dma_start3A_62 : memref<160000x128xf32, #tpu.memory_space<hbm>>) target(%arg10 : memref<80x128xf32, #tpu.memory_space<vmem>>) offsets(%dma_start3A_59 : memref<80xi32, #tpu.memory_space<vmem>>) semaphore(%arg13 : memref<!tpu.dma_semaphore, #tpu.memory_space<semaphore_mem>>)
      %mul3A_63 = arith.constant 80 : i32
      %mul3A_64 = arith.muli %mul3A_54, %mul3A_63 : i32
      %dma_wait3A_65 = tpu.memref_slice %arg7[%mul3A_64] : memref<10000xi32, #tpu.memory_space<vmem>> -> memref<80xi32, #tpu.memory_space<vmem>>
      %dma_wait3A_66 = arith.constant 0 : i32
      %dma_wait3A_67 = arith.constant 0 : i32
      %dma_wait3A_68 = tpu.memref_slice %arg2[%dma_wait3A_66, %dma_wait3A_67] : memref<160000x128xf32, #tpu.memory_space<hbm>> -> memref<160000x128xf32, #tpu.memory_space<hbm>>
      tpu.wait_indirect_dma semaphore(%arg12 : memref<!tpu.dma_semaphore, #tpu.memory_space<semaphore_mem>>) src(%dma_wait3A_68 : memref<160000x128xf32, #tpu.memory_space<hbm>>) dst(%arg9 : memref<80x128xf32, #tpu.memory_space<vmem>>)
      "tpu.region"() ({
        %run_scoped3A_87 = tpu.sem_alloc : memref<!tpu.dma_semaphore, #tpu.memory_space<semaphore_mem>>
        %dma_start3A_88 = arith.constant 0 : i32
        %dma_start3A_89 = tpu.memref_slice %arg8[%mul3A_54, %dma_start3A_88] : memref<125x80xi32, #tpu.memory_space<vmem>> -> memref<1x80xi32, #tpu.memory_space<vmem>>
        %dma_start3A_90 = tpu.memref_squeeze %dma_start3A_89 : memref<1x80xi32, #tpu.memory_space<vmem>> -> memref<80xi32, #tpu.memory_space<vmem>>
        %dma_start3A_91 = arith.constant 0 : i32
        %dma_start3A_92 = arith.constant 0 : i32
        %dma_start3A_93 = tpu.memref_slice %arg11[%dma_start3A_91, %dma_start3A_92] : memref<10240x128xf32, #tpu.memory_space<vmem_shared>> -> memref<10240x128xf32, #tpu.memory_space<vmem_shared>>
        tpu.enqueue_indirect_dma source(%arg9 : memref<80x128xf32, #tpu.memory_space<vmem>>) target(%dma_start3A_93 : memref<10240x128xf32, #tpu.memory_space<vmem_shared>>) offsets(%dma_start3A_90 : memref<80xi32, #tpu.memory_space<vmem>>) semaphore(%run_scoped3A_87 : memref<!tpu.dma_semaphore, #tpu.memory_space<semaphore_mem>>) {add = true}
        %dma_wait3A_94 = arith.constant 0 : i32
        %dma_wait3A_95 = tpu.memref_slice %arg8[%mul3A_54, %dma_wait3A_94] : memref<125x80xi32, #tpu.memory_space<vmem>> -> memref<1x80xi32, #tpu.memory_space<vmem>>
        %dma_wait3A_96 = tpu.memref_squeeze %dma_wait3A_95 : memref<1x80xi32, #tpu.memory_space<vmem>> -> memref<80xi32, #tpu.memory_space<vmem>>
        %dma_wait3A_97 = arith.constant 0 : i32
        %dma_wait3A_98 = arith.constant 0 : i32
        %dma_wait3A_99 = tpu.memref_slice %arg11[%dma_wait3A_97, %dma_wait3A_98] : memref<10240x128xf32, #tpu.memory_space<vmem_shared>> -> memref<10240x128xf32, #tpu.memory_space<vmem_shared>>
        tpu.wait_indirect_dma semaphore(%run_scoped3A_87 : memref<!tpu.dma_semaphore, #tpu.memory_space<semaphore_mem>>) src(%arg9 : memref<80x128xf32, #tpu.memory_space<vmem>>) dst(%dma_wait3A_99 : memref<10240x128xf32, #tpu.memory_space<vmem_shared>>)
        tpu.yield
      }) : () -> ()
      %add3A_69 = arith.constant 2 : i32
      %add3A_70 = arith.addi %mul3A_54, %add3A_69 : i32
      %mul3A_71 = arith.constant 80 : i32
      %mul3A_72 = arith.muli %add3A_70, %mul3A_71 : i32
      %dma_start3A_73 = tpu.memref_slice %arg7[%mul3A_72] : memref<10000xi32, #tpu.memory_space<vmem>> -> memref<80xi32, #tpu.memory_space<vmem>>
      %dma_start3A_74 = arith.constant 0 : i32
      %dma_start3A_75 = arith.constant 0 : i32
      %dma_start3A_76 = tpu.memref_slice %arg2[%dma_start3A_74, %dma_start3A_75] : memref<160000x128xf32, #tpu.memory_space<hbm>> -> memref<160000x128xf32, #tpu.memory_space<hbm>>
      tpu.enqueue_indirect_dma source(%dma_start3A_76 : memref<160000x128xf32, #tpu.memory_space<hbm>>) target(%arg9 : memref<80x128xf32, #tpu.memory_space<vmem>>) offsets(%dma_start3A_73 : memref<80xi32, #tpu.memory_space<vmem>>) semaphore(%arg12 : memref<!tpu.dma_semaphore, #tpu.memory_space<semaphore_mem>>)
      %add3A_77 = arith.constant 1 : i32
      %add3A_78 = arith.addi %mul3A_54, %add3A_77 : i32
      %mul3A_79 = arith.constant 80 : i32
      %mul3A_80 = arith.muli %add3A_78, %mul3A_79 : i32
      %dma_wait3A_81 = tpu.memref_slice %arg7[%mul3A_80] : memref<10000xi32, #tpu.memory_space<vmem>> -> memref<80xi32, #tpu.memory_space<vmem>>
      %dma_wait3A_82 = arith.constant 0 : i32
      %dma_wait3A_83 = arith.constant 0 : i32
      %dma_wait3A_84 = tpu.memref_slice %arg2[%dma_wait3A_82, %dma_wait3A_83] : memref<160000x128xf32, #tpu.memory_space<hbm>> -> memref<160000x128xf32, #tpu.memory_space<hbm>>
      tpu.wait_indirect_dma semaphore(%arg13 : memref<!tpu.dma_semaphore, #tpu.memory_space<semaphore_mem>>) src(%dma_wait3A_84 : memref<160000x128xf32, #tpu.memory_space<hbm>>) dst(%arg10 : memref<80x128xf32, #tpu.memory_space<vmem>>)
      %add3A_85 = arith.constant 1 : i32
      %add3A_86 = arith.addi %mul3A_54, %add3A_85 : i32
      "tpu.region"() ({
        %run_scoped3A_87 = tpu.sem_alloc : memref<!tpu.dma_semaphore, #tpu.memory_space<semaphore_mem>>
        %dma_start3A_88 = arith.constant 0 : i32
        %dma_start3A_89 = tpu.memref_slice %arg8[%add3A_86, %dma_start3A_88] : memref<125x80xi32, #tpu.memory_space<vmem>> -> memref<1x80xi32, #tpu.memory_space<vmem>>
        %dma_start3A_90 = tpu.memref_squeeze %dma_start3A_89 : memref<1x80xi32, #tpu.memory_space<vmem>> -> memref<80xi32, #tpu.memory_space<vmem>>
        %dma_start3A_91 = arith.constant 0 : i32
        %dma_start3A_92 = arith.constant 0 : i32
        %dma_start3A_93 = tpu.memref_slice %arg11[%dma_start3A_91, %dma_start3A_92] : memref<10240x128xf32, #tpu.memory_space<vmem_shared>> -> memref<10240x128xf32, #tpu.memory_space<vmem_shared>>
        tpu.enqueue_indirect_dma source(%arg10 : memref<80x128xf32, #tpu.memory_space<vmem>>) target(%dma_start3A_93 : memref<10240x128xf32, #tpu.memory_space<vmem_shared>>) offsets(%dma_start3A_90 : memref<80xi32, #tpu.memory_space<vmem>>) semaphore(%run_scoped3A_87 : memref<!tpu.dma_semaphore, #tpu.memory_space<semaphore_mem>>) {add = true}
        %dma_wait3A_94 = arith.constant 0 : i32
        %dma_wait3A_95 = tpu.memref_slice %arg8[%add3A_86, %dma_wait3A_94] : memref<125x80xi32, #tpu.memory_space<vmem>> -> memref<1x80xi32, #tpu.memory_space<vmem>>
        %dma_wait3A_96 = tpu.memref_squeeze %dma_wait3A_95 : memref<1x80xi32, #tpu.memory_space<vmem>> -> memref<80xi32, #tpu.memory_space<vmem>>
        %dma_wait3A_97 = arith.constant 0 : i32
        %dma_wait3A_98 = arith.constant 0 : i32
        %dma_wait3A_99 = tpu.memref_slice %arg11[%dma_wait3A_97, %dma_wait3A_98] : memref<10240x128xf32, #tpu.memory_space<vmem_shared>> -> memref<10240x128xf32, #tpu.memory_space<vmem_shared>>
        tpu.wait_indirect_dma semaphore(%run_scoped3A_87 : memref<!tpu.dma_semaphore, #tpu.memory_space<semaphore_mem>>) src(%arg10 : memref<80x128xf32, #tpu.memory_space<vmem>>) dst(%dma_wait3A_99 : memref<10240x128xf32, #tpu.memory_space<vmem_shared>>)
        tpu.yield
      }) : () -> ()
    }
    %scan3A_41 = arith.constant 62 : i32
    %dma_wait3A = arith.constant 9920 : i32
    %dma_wait3A_42 = tpu.memref_slice %arg7[%dma_wait3A] : memref<10000xi32, #tpu.memory_space<vmem>> -> memref<80xi32, #tpu.memory_space<vmem>>
    %dma_wait3A_43 = arith.constant 0 : i32
    %dma_wait3A_44 = arith.constant 0 : i32
    %dma_wait3A_45 = tpu.memref_slice %arg2[%dma_wait3A_43, %dma_wait3A_44] : memref<160000x128xf32, #tpu.memory_space<hbm>> -> memref<160000x128xf32, #tpu.memory_space<hbm>>
    tpu.wait_indirect_dma semaphore(%arg12 : memref<!tpu.dma_semaphore, #tpu.memory_space<semaphore_mem>>) src(%dma_wait3A_45 : memref<160000x128xf32, #tpu.memory_space<hbm>>) dst(%arg9 : memref<80x128xf32, #tpu.memory_space<vmem>>)
    %run_scoped3A_46 = arith.constant 124 : i32
    "tpu.region"() ({
      %run_scoped3A_52 = tpu.sem_alloc : memref<!tpu.dma_semaphore, #tpu.memory_space<semaphore_mem>>
      %dma_start3A_53 = arith.constant 0 : i32
      %dma_start3A_54 = tpu.memref_slice %arg8[%run_scoped3A_46, %dma_start3A_53] : memref<125x80xi32, #tpu.memory_space<vmem>> -> memref<1x80xi32, #tpu.memory_space<vmem>>
      %dma_start3A_55 = tpu.memref_squeeze %dma_start3A_54 : memref<1x80xi32, #tpu.memory_space<vmem>> -> memref<80xi32, #tpu.memory_space<vmem>>
      %dma_start3A_56 = arith.constant 0 : i32
      %dma_start3A_57 = arith.constant 0 : i32
      %dma_start3A_58 = tpu.memref_slice %arg11[%dma_start3A_56, %dma_start3A_57] : memref<10240x128xf32, #tpu.memory_space<vmem_shared>> -> memref<10240x128xf32, #tpu.memory_space<vmem_shared>>
      tpu.enqueue_indirect_dma source(%arg9 : memref<80x128xf32, #tpu.memory_space<vmem>>) target(%dma_start3A_58 : memref<10240x128xf32, #tpu.memory_space<vmem_shared>>) offsets(%dma_start3A_55 : memref<80xi32, #tpu.memory_space<vmem>>) semaphore(%run_scoped3A_52 : memref<!tpu.dma_semaphore, #tpu.memory_space<semaphore_mem>>) {add = true}
      %dma_wait3A_59 = arith.constant 0 : i32
      %dma_wait3A_60 = tpu.memref_slice %arg8[%run_scoped3A_46, %dma_wait3A_59] : memref<125x80xi32, #tpu.memory_space<vmem>> -> memref<1x80xi32, #tpu.memory_space<vmem>>
      %dma_wait3A_61 = tpu.memref_squeeze %dma_wait3A_60 : memref<1x80xi32, #tpu.memory_space<vmem>> -> memref<80xi32, #tpu.memory_space<vmem>>
      %dma_wait3A_62 = arith.constant 0 : i32
      %dma_wait3A_63 = arith.constant 0 : i32
      %dma_wait3A_64 = tpu.memref_slice %arg11[%dma_wait3A_62, %dma_wait3A_63] : memref<10240x128xf32, #tpu.memory_space<vmem_shared>> -> memref<10240x128xf32, #tpu.memory_space<vmem_shared>>
      tpu.wait_indirect_dma semaphore(%run_scoped3A_52 : memref<!tpu.dma_semaphore, #tpu.memory_space<semaphore_mem>>) src(%arg9 : memref<80x128xf32, #tpu.memory_space<vmem>>) dst(%dma_wait3A_64 : memref<10240x128xf32, #tpu.memory_space<vmem_shared>>)
      tpu.yield
    }) : () -> ()
    %barrier3A_47 = arith.constant 0 : index
    tpu.barrier barrier_id(%barrier3A_47)
    %mul3A_48 = arith.constant 640 : i32
    %mul3A_49 = arith.muli %arg1, %mul3A_48 : i32
    %mul3A_50 = arith.constant 640 : i32
    %mul3A_51 = arith.muli %arg1, %mul3A_50 : i32
    "tpu.region"() ({
      %run_scoped3A_52 = tpu.sem_alloc : memref<!tpu.dma_semaphore, #tpu.memory_space<semaphore_mem>>
      %dma_start3A_53 = arith.constant 0 : i32
      %dma_start3A_54 = tpu.memref_slice %arg6[%arg0, %mul3A_51, %dma_start3A_53] : memref<2x10240x128xf32, #tpu.memory_space<hbm>> -> memref<1x640x128xf32, #tpu.memory_space<hbm>>
      %dma_start3A_55 = tpu.memref_squeeze %dma_start3A_54 : memref<1x640x128xf32, #tpu.memory_space<hbm>> -> memref<640x128xf32, #tpu.memory_space<hbm>>
      %dma_start3A_56 = arith.constant 0 : i32
      %dma_start3A_57 = tpu.memref_slice %arg11[%mul3A_49, %dma_start3A_56] : memref<10240x128xf32, #tpu.memory_space<vmem_shared>> -> memref<640x128xf32, #tpu.memory_space<vmem_shared>>
      tpu.enqueue_dma source(%dma_start3A_57 : memref<640x128xf32, #tpu.memory_space<vmem_shared>>) target(%dma_start3A_55 : memref<640x128xf32, #tpu.memory_space<hbm>>) target_semaphore(%run_scoped3A_52 : memref<!tpu.dma_semaphore, #tpu.memory_space<semaphore_mem>>)
      %dma_wait3A_58 = arith.constant 0 : i32
      %dma_wait3A_59 = tpu.memref_slice %arg6[%arg0, %mul3A_51, %dma_wait3A_58] : memref<2x10240x128xf32, #tpu.memory_space<hbm>> -> memref<1x640x128xf32, #tpu.memory_space<hbm>>
      %dma_wait3A_60 = tpu.memref_squeeze %dma_wait3A_59 : memref<1x640x128xf32, #tpu.memory_space<hbm>> -> memref<640x128xf32, #tpu.memory_space<hbm>>
      %dma_wait3A_61 = arith.constant 0 : i32
      %dma_wait3A_62 = tpu.memref_slice %arg11[%mul3A_49, %dma_wait3A_61] : memref<10240x128xf32, #tpu.memory_space<vmem_shared>> -> memref<640x128xf32, #tpu.memory_space<vmem_shared>>
      tpu.wait_dma2 semaphore(%run_scoped3A_52 : memref<!tpu.dma_semaphore, #tpu.memory_space<semaphore_mem>>) src(%dma_wait3A_62 : memref<640x128xf32, #tpu.memory_space<vmem_shared>>) dst(%dma_wait3A_60 : memref<640x128xf32, #tpu.memory_space<hbm>>)
      tpu.yield
    }) : () -> ()
    return
  }
}

module attributes {stable_mosaic.version = 14 : i64} {
  func.func @_transform_body(%arg0: i32, %arg1: memref<16x8xf32, #tpu.memory_space<smem>>, %arg2: memref<8x128x128xf32, #tpu.memory_space<vmem>>, %arg3: memref<128x128xf32, #tpu.memory_space<vmem>>, %arg4: memref<1x128xf32, #tpu.memory_space<vmem>>, %arg5: memref<2x2500x128xi32, #tpu.memory_space<vmem>>, %arg6: memref<2500x128xi32, #tpu.memory_space<vmem>>, %arg7: memref<400x128xf32, #tpu.memory_space<vmem>>, %arg8: memref<400x2048xf32, #tpu.memory_space<vmem>>, %arg9: memref<400x128xf32, #tpu.memory_space<vmem>>, %arg10: memref<2500x128xi32, #tpu.memory_space<vmem>>, %arg11: memref<128x2048xf32, #tpu.memory_space<vmem>>) attributes {dimension_semantics = [#tpu.dimension_semantics<arbitrary>], iteration_bounds = array<i64: 25>, scalar_prefetch = 0 : i64, scratch_operands = 1 : i64, tpu.core_type = #tpu.core_type<tc>, window_params = [{transform_indices = @transform_0, window_bounds = array<i64: 16, 8>}, {pipeline_mode = #tpu.pipeline_mode<synchronous>, transform_indices = @transform_1, window_bounds = array<i64: 8, 128, 128>}, {pipeline_mode = #tpu.pipeline_mode<synchronous>, transform_indices = @transform_2, window_bounds = array<i64: 128, 128>}, {pipeline_mode = #tpu.pipeline_mode<synchronous>, transform_indices = @transform_3, window_bounds = array<i64: 1, 128>}, {pipeline_mode = #tpu.pipeline_mode<synchronous>, transform_indices = @transform_4, window_bounds = array<i64: 2, 2500, 128>}, {pipeline_mode = #tpu.pipeline_mode<synchronous>, transform_indices = @transform_5, window_bounds = array<i64: 2500, 128>}, {transform_indices = @transform_6, window_bounds = array<i64: 400, 128>}, {transform_indices = @transform_7, window_bounds = array<i64: 400, 2048>}, {transform_indices = @transform_8, window_bounds = array<i64: 400, 128>}, {pipeline_mode = #tpu.pipeline_mode<synchronous>, transform_indices = @transform_9, window_bounds = array<i64: 2500, 128>}]} {
    %eq3A = arith.constant 0 : i32
    %eq3A_0 = arith.cmpi eq, %arg0, %eq3A : i32
    %convert_element_type3A = arith.extui %eq3A_0 : i1 to i32
    %cond3A = arith.constant 0 : i32
    %cond3A_1 = arith.cmpi ne, %convert_element_type3A, %cond3A : i32
    scf.if %cond3A_1 {
      %get3A_25 = arith.constant 0 : index
      %get3A_26 = arith.constant 0 : index
      %get3A_27 = memref.load %arg1[%get3A_25, %get3A_26] : memref<16x8xf32, #tpu.memory_space<smem>>
      %get3A_28 = arith.constant 0 : index
      %get3A_29 = arith.constant 0 : index
      %get3A_30 = arith.constant 0 : index
      %get3A_31 = vector.load %arg2[%get3A_28, %get3A_29, %get3A_30] : memref<8x128x128xf32, #tpu.memory_space<vmem>>, vector<1x128x128xf32>
      %get3A_32 = vector.shape_cast %get3A_31 : vector<1x128x128xf32> to vector<128x128xf32>
      %mul3A = vector.broadcast %get3A_27 : f32 to vector<128x128xf32>
      %mul3A_33 = arith.mulf %mul3A, %get3A_32 : vector<128x128xf32>
      %get3A_34 = arith.constant 0 : index
      %get3A_35 = arith.constant 1 : index
      %get3A_36 = memref.load %arg1[%get3A_34, %get3A_35] : memref<16x8xf32, #tpu.memory_space<smem>>
      %get3A_37 = arith.constant 1 : index
      %get3A_38 = arith.constant 0 : index
      %get3A_39 = arith.constant 0 : index
      %get3A_40 = vector.load %arg2[%get3A_37, %get3A_38, %get3A_39] : memref<8x128x128xf32, #tpu.memory_space<vmem>>, vector<1x128x128xf32>
      %get3A_41 = vector.shape_cast %get3A_40 : vector<1x128x128xf32> to vector<128x128xf32>
      %mul3A_42 = vector.broadcast %get3A_36 : f32 to vector<128x128xf32>
      %mul3A_43 = arith.mulf %mul3A_42, %get3A_41 : vector<128x128xf32>
      %add3A_44 = arith.addf %mul3A_33, %mul3A_43 : vector<128x128xf32>
      %get3A_45 = arith.constant 0 : index
      %get3A_46 = arith.constant 2 : index
      %get3A_47 = memref.load %arg1[%get3A_45, %get3A_46] : memref<16x8xf32, #tpu.memory_space<smem>>
      %get3A_48 = arith.constant 2 : index
      %get3A_49 = arith.constant 0 : index
      %get3A_50 = arith.constant 0 : index
      %get3A_51 = vector.load %arg2[%get3A_48, %get3A_49, %get3A_50] : memref<8x128x128xf32, #tpu.memory_space<vmem>>, vector<1x128x128xf32>
      %get3A_52 = vector.shape_cast %get3A_51 : vector<1x128x128xf32> to vector<128x128xf32>
      %mul3A_53 = vector.broadcast %get3A_47 : f32 to vector<128x128xf32>
      %mul3A_54 = arith.mulf %mul3A_53, %get3A_52 : vector<128x128xf32>
      %add3A_55 = arith.addf %add3A_44, %mul3A_54 : vector<128x128xf32>
      %get3A_56 = arith.constant 0 : index
      %get3A_57 = arith.constant 3 : index
      %get3A_58 = memref.load %arg1[%get3A_56, %get3A_57] : memref<16x8xf32, #tpu.memory_space<smem>>
      %get3A_59 = arith.constant 3 : index
      %get3A_60 = arith.constant 0 : index
      %get3A_61 = arith.constant 0 : index
      %get3A_62 = vector.load %arg2[%get3A_59, %get3A_60, %get3A_61] : memref<8x128x128xf32, #tpu.memory_space<vmem>>, vector<1x128x128xf32>
      %get3A_63 = vector.shape_cast %get3A_62 : vector<1x128x128xf32> to vector<128x128xf32>
      %mul3A_64 = vector.broadcast %get3A_58 : f32 to vector<128x128xf32>
      %mul3A_65 = arith.mulf %mul3A_64, %get3A_63 : vector<128x128xf32>
      %add3A_66 = arith.addf %add3A_55, %mul3A_65 : vector<128x128xf32>
      %get3A_67 = arith.constant 0 : index
      %get3A_68 = arith.constant 4 : index
      %get3A_69 = memref.load %arg1[%get3A_67, %get3A_68] : memref<16x8xf32, #tpu.memory_space<smem>>
      %get3A_70 = arith.constant 4 : index
      %get3A_71 = arith.constant 0 : index
      %get3A_72 = arith.constant 0 : index
      %get3A_73 = vector.load %arg2[%get3A_70, %get3A_71, %get3A_72] : memref<8x128x128xf32, #tpu.memory_space<vmem>>, vector<1x128x128xf32>
      %get3A_74 = vector.shape_cast %get3A_73 : vector<1x128x128xf32> to vector<128x128xf32>
      %mul3A_75 = vector.broadcast %get3A_69 : f32 to vector<128x128xf32>
      %mul3A_76 = arith.mulf %mul3A_75, %get3A_74 : vector<128x128xf32>
      %add3A_77 = arith.addf %add3A_66, %mul3A_76 : vector<128x128xf32>
      %get3A_78 = arith.constant 0 : index
      %get3A_79 = arith.constant 5 : index
      %get3A_80 = memref.load %arg1[%get3A_78, %get3A_79] : memref<16x8xf32, #tpu.memory_space<smem>>
      %get3A_81 = arith.constant 5 : index
      %get3A_82 = arith.constant 0 : index
      %get3A_83 = arith.constant 0 : index
      %get3A_84 = vector.load %arg2[%get3A_81, %get3A_82, %get3A_83] : memref<8x128x128xf32, #tpu.memory_space<vmem>>, vector<1x128x128xf32>
      %get3A_85 = vector.shape_cast %get3A_84 : vector<1x128x128xf32> to vector<128x128xf32>
      %mul3A_86 = vector.broadcast %get3A_80 : f32 to vector<128x128xf32>
      %mul3A_87 = arith.mulf %mul3A_86, %get3A_85 : vector<128x128xf32>
      %add3A_88 = arith.addf %add3A_77, %mul3A_87 : vector<128x128xf32>
      %get3A_89 = arith.constant 0 : index
      %get3A_90 = arith.constant 6 : index
      %get3A_91 = memref.load %arg1[%get3A_89, %get3A_90] : memref<16x8xf32, #tpu.memory_space<smem>>
      %get3A_92 = arith.constant 6 : index
      %get3A_93 = arith.constant 0 : index
      %get3A_94 = arith.constant 0 : index
      %get3A_95 = vector.load %arg2[%get3A_92, %get3A_93, %get3A_94] : memref<8x128x128xf32, #tpu.memory_space<vmem>>, vector<1x128x128xf32>
      %get3A_96 = vector.shape_cast %get3A_95 : vector<1x128x128xf32> to vector<128x128xf32>
      %mul3A_97 = vector.broadcast %get3A_91 : f32 to vector<128x128xf32>
      %mul3A_98 = arith.mulf %mul3A_97, %get3A_96 : vector<128x128xf32>
      %add3A_99 = arith.addf %add3A_88, %mul3A_98 : vector<128x128xf32>
      %get3A_100 = arith.constant 0 : index
      %get3A_101 = arith.constant 7 : index
      %get3A_102 = memref.load %arg1[%get3A_100, %get3A_101] : memref<16x8xf32, #tpu.memory_space<smem>>
      %get3A_103 = arith.constant 7 : index
      %get3A_104 = arith.constant 0 : index
      %get3A_105 = arith.constant 0 : index
      %get3A_106 = vector.load %arg2[%get3A_103, %get3A_104, %get3A_105] : memref<8x128x128xf32, #tpu.memory_space<vmem>>, vector<1x128x128xf32>
      %get3A_107 = vector.shape_cast %get3A_106 : vector<1x128x128xf32> to vector<128x128xf32>
      %mul3A_108 = vector.broadcast %get3A_102 : f32 to vector<128x128xf32>
      %mul3A_109 = arith.mulf %mul3A_108, %get3A_107 : vector<128x128xf32>
      %add3A_110 = arith.addf %add3A_99, %mul3A_109 : vector<128x128xf32>
      %swap3A_111 = arith.constant 0 : index
      %swap3A_112 = arith.constant 0 : index
      %swap3A_113 = vector.load %arg11[%swap3A_111, %swap3A_112] : memref<128x2048xf32, #tpu.memory_space<vmem>>, vector<128x128xf32>
      tpu.vector_store %arg11[%swap3A_111, %swap3A_112], %add3A_110 {strides = array<i32>} : memref<128x2048xf32, #tpu.memory_space<vmem>>, vector<128x128xf32>,
      %get3A_114 = arith.constant 1 : index
      %get3A_115 = arith.constant 0 : index
      %get3A_116 = memref.load %arg1[%get3A_114, %get3A_115] : memref<16x8xf32, #tpu.memory_space<smem>>
      %get3A_117 = arith.constant 0 : index
      %get3A_118 = arith.constant 0 : index
      %get3A_119 = arith.constant 0 : index
      %get3A_120 = vector.load %arg2[%get3A_117, %get3A_118, %get3A_119] : memref<8x128x128xf32, #tpu.memory_space<vmem>>, vector<1x128x128xf32>
      %get3A_121 = vector.shape_cast %get3A_120 : vector<1x128x128xf32> to vector<128x128xf32>
      %mul3A_122 = vector.broadcast %get3A_116 : f32 to vector<128x128xf32>
      %mul3A_123 = arith.mulf %mul3A_122, %get3A_121 : vector<128x128xf32>
      %get3A_124 = arith.constant 1 : index
      %get3A_125 = arith.constant 1 : index
      %get3A_126 = memref.load %arg1[%get3A_124, %get3A_125] : memref<16x8xf32, #tpu.memory_space<smem>>
      %get3A_127 = arith.constant 1 : index
      %get3A_128 = arith.constant 0 : index
      %get3A_129 = arith.constant 0 : index
      %get3A_130 = vector.load %arg2[%get3A_127, %get3A_128, %get3A_129] : memref<8x128x128xf32, #tpu.memory_space<vmem>>, vector<1x128x128xf32>
      %get3A_131 = vector.shape_cast %get3A_130 : vector<1x128x128xf32> to vector<128x128xf32>
      %mul3A_132 = vector.broadcast %get3A_126 : f32 to vector<128x128xf32>
      %mul3A_133 = arith.mulf %mul3A_132, %get3A_131 : vector<128x128xf32>
      %add3A_134 = arith.addf %mul3A_123, %mul3A_133 : vector<128x128xf32>
      %get3A_135 = arith.constant 1 : index
      %get3A_136 = arith.constant 2 : index
      %get3A_137 = memref.load %arg1[%get3A_135, %get3A_136] : memref<16x8xf32, #tpu.memory_space<smem>>
      %get3A_138 = arith.constant 2 : index
      %get3A_139 = arith.constant 0 : index
      %get3A_140 = arith.constant 0 : index
      %get3A_141 = vector.load %arg2[%get3A_138, %get3A_139, %get3A_140] : memref<8x128x128xf32, #tpu.memory_space<vmem>>, vector<1x128x128xf32>
      %get3A_142 = vector.shape_cast %get3A_141 : vector<1x128x128xf32> to vector<128x128xf32>
      %mul3A_143 = vector.broadcast %get3A_137 : f32 to vector<128x128xf32>
      %mul3A_144 = arith.mulf %mul3A_143, %get3A_142 : vector<128x128xf32>
      %add3A_145 = arith.addf %add3A_134, %mul3A_144 : vector<128x128xf32>
      %get3A_146 = arith.constant 1 : index
      %get3A_147 = arith.constant 3 : index
      %get3A_148 = memref.load %arg1[%get3A_146, %get3A_147] : memref<16x8xf32, #tpu.memory_space<smem>>
      %get3A_149 = arith.constant 3 : index
      %get3A_150 = arith.constant 0 : index
      %get3A_151 = arith.constant 0 : index
      %get3A_152 = vector.load %arg2[%get3A_149, %get3A_150, %get3A_151] : memref<8x128x128xf32, #tpu.memory_space<vmem>>, vector<1x128x128xf32>
      %get3A_153 = vector.shape_cast %get3A_152 : vector<1x128x128xf32> to vector<128x128xf32>
      %mul3A_154 = vector.broadcast %get3A_148 : f32 to vector<128x128xf32>
      %mul3A_155 = arith.mulf %mul3A_154, %get3A_153 : vector<128x128xf32>
      %add3A_156 = arith.addf %add3A_145, %mul3A_155 : vector<128x128xf32>
      %get3A_157 = arith.constant 1 : index
      %get3A_158 = arith.constant 4 : index
      %get3A_159 = memref.load %arg1[%get3A_157, %get3A_158] : memref<16x8xf32, #tpu.memory_space<smem>>
      %get3A_160 = arith.constant 4 : index
      %get3A_161 = arith.constant 0 : index
      %get3A_162 = arith.constant 0 : index
      %get3A_163 = vector.load %arg2[%get3A_160, %get3A_161, %get3A_162] : memref<8x128x128xf32, #tpu.memory_space<vmem>>, vector<1x128x128xf32>
      %get3A_164 = vector.shape_cast %get3A_163 : vector<1x128x128xf32> to vector<128x128xf32>
      %mul3A_165 = vector.broadcast %get3A_159 : f32 to vector<128x128xf32>
      %mul3A_166 = arith.mulf %mul3A_165, %get3A_164 : vector<128x128xf32>
      %add3A_167 = arith.addf %add3A_156, %mul3A_166 : vector<128x128xf32>
      %get3A_168 = arith.constant 1 : index
      %get3A_169 = arith.constant 5 : index
      %get3A_170 = memref.load %arg1[%get3A_168, %get3A_169] : memref<16x8xf32, #tpu.memory_space<smem>>
      %get3A_171 = arith.constant 5 : index
      %get3A_172 = arith.constant 0 : index
      %get3A_173 = arith.constant 0 : index
      %get3A_174 = vector.load %arg2[%get3A_171, %get3A_172, %get3A_173] : memref<8x128x128xf32, #tpu.memory_space<vmem>>, vector<1x128x128xf32>
      %get3A_175 = vector.shape_cast %get3A_174 : vector<1x128x128xf32> to vector<128x128xf32>
      %mul3A_176 = vector.broadcast %get3A_170 : f32 to vector<128x128xf32>
      %mul3A_177 = arith.mulf %mul3A_176, %get3A_175 : vector<128x128xf32>
      %add3A_178 = arith.addf %add3A_167, %mul3A_177 : vector<128x128xf32>
      %get3A_179 = arith.constant 1 : index
      %get3A_180 = arith.constant 6 : index
      %get3A_181 = memref.load %arg1[%get3A_179, %get3A_180] : memref<16x8xf32, #tpu.memory_space<smem>>
      %get3A_182 = arith.constant 6 : index
      %get3A_183 = arith.constant 0 : index
      %get3A_184 = arith.constant 0 : index
      %get3A_185 = vector.load %arg2[%get3A_182, %get3A_183, %get3A_184] : memref<8x128x128xf32, #tpu.memory_space<vmem>>, vector<1x128x128xf32>
      %get3A_186 = vector.shape_cast %get3A_185 : vector<1x128x128xf32> to vector<128x128xf32>
      %mul3A_187 = vector.broadcast %get3A_181 : f32 to vector<128x128xf32>
      %mul3A_188 = arith.mulf %mul3A_187, %get3A_186 : vector<128x128xf32>
      %add3A_189 = arith.addf %add3A_178, %mul3A_188 : vector<128x128xf32>
      %get3A_190 = arith.constant 1 : index
      %get3A_191 = arith.constant 7 : index
      %get3A_192 = memref.load %arg1[%get3A_190, %get3A_191] : memref<16x8xf32, #tpu.memory_space<smem>>
      %get3A_193 = arith.constant 7 : index
      %get3A_194 = arith.constant 0 : index
      %get3A_195 = arith.constant 0 : index
      %get3A_196 = vector.load %arg2[%get3A_193, %get3A_194, %get3A_195] : memref<8x128x128xf32, #tpu.memory_space<vmem>>, vector<1x128x128xf32>
      %get3A_197 = vector.shape_cast %get3A_196 : vector<1x128x128xf32> to vector<128x128xf32>
      %mul3A_198 = vector.broadcast %get3A_192 : f32 to vector<128x128xf32>
      %mul3A_199 = arith.mulf %mul3A_198, %get3A_197 : vector<128x128xf32>
      %add3A_200 = arith.addf %add3A_189, %mul3A_199 : vector<128x128xf32>
      %swap3A_201 = arith.constant 0 : index
      %swap3A_202 = arith.constant 128 : index
      %swap3A_203 = vector.load %arg11[%swap3A_201, %swap3A_202] : memref<128x2048xf32, #tpu.memory_space<vmem>>, vector<128x128xf32>
      tpu.vector_store %arg11[%swap3A_201, %swap3A_202], %add3A_200 {strides = array<i32>} : memref<128x2048xf32, #tpu.memory_space<vmem>>, vector<128x128xf32>,
      %get3A_204 = arith.constant 2 : index
      %get3A_205 = arith.constant 0 : index
      %get3A_206 = memref.load %arg1[%get3A_204, %get3A_205] : memref<16x8xf32, #tpu.memory_space<smem>>
      %get3A_207 = arith.constant 0 : index
      %get3A_208 = arith.constant 0 : index
      %get3A_209 = arith.constant 0 : index
      %get3A_210 = vector.load %arg2[%get3A_207, %get3A_208, %get3A_209] : memref<8x128x128xf32, #tpu.memory_space<vmem>>, vector<1x128x128xf32>
      %get3A_211 = vector.shape_cast %get3A_210 : vector<1x128x128xf32> to vector<128x128xf32>
      %mul3A_212 = vector.broadcast %get3A_206 : f32 to vector<128x128xf32>
      %mul3A_213 = arith.mulf %mul3A_212, %get3A_211 : vector<128x128xf32>
      %get3A_214 = arith.constant 2 : index
      %get3A_215 = arith.constant 1 : index
      %get3A_216 = memref.load %arg1[%get3A_214, %get3A_215] : memref<16x8xf32, #tpu.memory_space<smem>>
      %get3A_217 = arith.constant 1 : index
      %get3A_218 = arith.constant 0 : index
      %get3A_219 = arith.constant 0 : index
      %get3A_220 = vector.load %arg2[%get3A_217, %get3A_218, %get3A_219] : memref<8x128x128xf32, #tpu.memory_space<vmem>>, vector<1x128x128xf32>
      %get3A_221 = vector.shape_cast %get3A_220 : vector<1x128x128xf32> to vector<128x128xf32>
      %mul3A_222 = vector.broadcast %get3A_216 : f32 to vector<128x128xf32>
      %mul3A_223 = arith.mulf %mul3A_222, %get3A_221 : vector<128x128xf32>
      %add3A_224 = arith.addf %mul3A_213, %mul3A_223 : vector<128x128xf32>
      %get3A_225 = arith.constant 2 : index
      %get3A_226 = arith.constant 2 : index
      %get3A_227 = memref.load %arg1[%get3A_225, %get3A_226] : memref<16x8xf32, #tpu.memory_space<smem>>
      %get3A_228 = arith.constant 2 : index
      %get3A_229 = arith.constant 0 : index
      %get3A_230 = arith.constant 0 : index
      %get3A_231 = vector.load %arg2[%get3A_228, %get3A_229, %get3A_230] : memref<8x128x128xf32, #tpu.memory_space<vmem>>, vector<1x128x128xf32>
      %get3A_232 = vector.shape_cast %get3A_231 : vector<1x128x128xf32> to vector<128x128xf32>
      %mul3A_233 = vector.broadcast %get3A_227 : f32 to vector<128x128xf32>
      %mul3A_234 = arith.mulf %mul3A_233, %get3A_232 : vector<128x128xf32>
      %add3A_235 = arith.addf %add3A_224, %mul3A_234 : vector<128x128xf32>
      %get3A_236 = arith.constant 2 : index
      %get3A_237 = arith.constant 3 : index
      %get3A_238 = memref.load %arg1[%get3A_236, %get3A_237] : memref<16x8xf32, #tpu.memory_space<smem>>
      %get3A_239 = arith.constant 3 : index
      %get3A_240 = arith.constant 0 : index
      %get3A_241 = arith.constant 0 : index
      %get3A_242 = vector.load %arg2[%get3A_239, %get3A_240, %get3A_241] : memref<8x128x128xf32, #tpu.memory_space<vmem>>, vector<1x128x128xf32>
      %get3A_243 = vector.shape_cast %get3A_242 : vector<1x128x128xf32> to vector<128x128xf32>
      %mul3A_244 = vector.broadcast %get3A_238 : f32 to vector<128x128xf32>
      %mul3A_245 = arith.mulf %mul3A_244, %get3A_243 : vector<128x128xf32>
      %add3A_246 = arith.addf %add3A_235, %mul3A_245 : vector<128x128xf32>
      %get3A_247 = arith.constant 2 : index
      %get3A_248 = arith.constant 4 : index
      %get3A_249 = memref.load %arg1[%get3A_247, %get3A_248] : memref<16x8xf32, #tpu.memory_space<smem>>
      %get3A_250 = arith.constant 4 : index
      %get3A_251 = arith.constant 0 : index
      %get3A_252 = arith.constant 0 : index
      %get3A_253 = vector.load %arg2[%get3A_250, %get3A_251, %get3A_252] : memref<8x128x128xf32, #tpu.memory_space<vmem>>, vector<1x128x128xf32>
      %get3A_254 = vector.shape_cast %get3A_253 : vector<1x128x128xf32> to vector<128x128xf32>
      %mul3A_255 = vector.broadcast %get3A_249 : f32 to vector<128x128xf32>
      %mul3A_256 = arith.mulf %mul3A_255, %get3A_254 : vector<128x128xf32>
      %add3A_257 = arith.addf %add3A_246, %mul3A_256 : vector<128x128xf32>
      %get3A_258 = arith.constant 2 : index
      %get3A_259 = arith.constant 5 : index
      %get3A_260 = memref.load %arg1[%get3A_258, %get3A_259] : memref<16x8xf32, #tpu.memory_space<smem>>
      %get3A_261 = arith.constant 5 : index
      %get3A_262 = arith.constant 0 : index
      %get3A_263 = arith.constant 0 : index
      %get3A_264 = vector.load %arg2[%get3A_261, %get3A_262, %get3A_263] : memref<8x128x128xf32, #tpu.memory_space<vmem>>, vector<1x128x128xf32>
      %get3A_265 = vector.shape_cast %get3A_264 : vector<1x128x128xf32> to vector<128x128xf32>
      %mul3A_266 = vector.broadcast %get3A_260 : f32 to vector<128x128xf32>
      %mul3A_267 = arith.mulf %mul3A_266, %get3A_265 : vector<128x128xf32>
      %add3A_268 = arith.addf %add3A_257, %mul3A_267 : vector<128x128xf32>
      %get3A_269 = arith.constant 2 : index
      %get3A_270 = arith.constant 6 : index
      %get3A_271 = memref.load %arg1[%get3A_269, %get3A_270] : memref<16x8xf32, #tpu.memory_space<smem>>
      %get3A_272 = arith.constant 6 : index
      %get3A_273 = arith.constant 0 : index
      %get3A_274 = arith.constant 0 : index
      %get3A_275 = vector.load %arg2[%get3A_272, %get3A_273, %get3A_274] : memref<8x128x128xf32, #tpu.memory_space<vmem>>, vector<1x128x128xf32>
      %get3A_276 = vector.shape_cast %get3A_275 : vector<1x128x128xf32> to vector<128x128xf32>
      %mul3A_277 = vector.broadcast %get3A_271 : f32 to vector<128x128xf32>
      %mul3A_278 = arith.mulf %mul3A_277, %get3A_276 : vector<128x128xf32>
      %add3A_279 = arith.addf %add3A_268, %mul3A_278 : vector<128x128xf32>
      %get3A_280 = arith.constant 2 : index
      %get3A_281 = arith.constant 7 : index
      %get3A_282 = memref.load %arg1[%get3A_280, %get3A_281] : memref<16x8xf32, #tpu.memory_space<smem>>
      %get3A_283 = arith.constant 7 : index
      %get3A_284 = arith.constant 0 : index
      %get3A_285 = arith.constant 0 : index
      %get3A_286 = vector.load %arg2[%get3A_283, %get3A_284, %get3A_285] : memref<8x128x128xf32, #tpu.memory_space<vmem>>, vector<1x128x128xf32>
      %get3A_287 = vector.shape_cast %get3A_286 : vector<1x128x128xf32> to vector<128x128xf32>
      %mul3A_288 = vector.broadcast %get3A_282 : f32 to vector<128x128xf32>
      %mul3A_289 = arith.mulf %mul3A_288, %get3A_287 : vector<128x128xf32>
      %add3A_290 = arith.addf %add3A_279, %mul3A_289 : vector<128x128xf32>
      %swap3A_291 = arith.constant 0 : index
      %swap3A_292 = arith.constant 256 : index
      %swap3A_293 = vector.load %arg11[%swap3A_291, %swap3A_292] : memref<128x2048xf32, #tpu.memory_space<vmem>>, vector<128x128xf32>
      tpu.vector_store %arg11[%swap3A_291, %swap3A_292], %add3A_290 {strides = array<i32>} : memref<128x2048xf32, #tpu.memory_space<vmem>>, vector<128x128xf32>,
      %get3A_294 = arith.constant 3 : index
      %get3A_295 = arith.constant 0 : index
      %get3A_296 = memref.load %arg1[%get3A_294, %get3A_295] : memref<16x8xf32, #tpu.memory_space<smem>>
      %get3A_297 = arith.constant 0 : index
      %get3A_298 = arith.constant 0 : index
      %get3A_299 = arith.constant 0 : index
      %get3A_300 = vector.load %arg2[%get3A_297, %get3A_298, %get3A_299] : memref<8x128x128xf32, #tpu.memory_space<vmem>>, vector<1x128x128xf32>
      %get3A_301 = vector.shape_cast %get3A_300 : vector<1x128x128xf32> to vector<128x128xf32>
      %mul3A_302 = vector.broadcast %get3A_296 : f32 to vector<128x128xf32>
      %mul3A_303 = arith.mulf %mul3A_302, %get3A_301 : vector<128x128xf32>
      %get3A_304 = arith.constant 3 : index
      %get3A_305 = arith.constant 1 : index
      %get3A_306 = memref.load %arg1[%get3A_304, %get3A_305] : memref<16x8xf32, #tpu.memory_space<smem>>
      %get3A_307 = arith.constant 1 : index
      %get3A_308 = arith.constant 0 : index
      %get3A_309 = arith.constant 0 : index
      %get3A_310 = vector.load %arg2[%get3A_307, %get3A_308, %get3A_309] : memref<8x128x128xf32, #tpu.memory_space<vmem>>, vector<1x128x128xf32>
      %get3A_311 = vector.shape_cast %get3A_310 : vector<1x128x128xf32> to vector<128x128xf32>
      %mul3A_312 = vector.broadcast %get3A_306 : f32 to vector<128x128xf32>
      %mul3A_313 = arith.mulf %mul3A_312, %get3A_311 : vector<128x128xf32>
      %add3A_314 = arith.addf %mul3A_303, %mul3A_313 : vector<128x128xf32>
      %get3A_315 = arith.constant 3 : index
      %get3A_316 = arith.constant 2 : index
      %get3A_317 = memref.load %arg1[%get3A_315, %get3A_316] : memref<16x8xf32, #tpu.memory_space<smem>>
      %get3A_318 = arith.constant 2 : index
      %get3A_319 = arith.constant 0 : index
      %get3A_320 = arith.constant 0 : index
      %get3A_321 = vector.load %arg2[%get3A_318, %get3A_319, %get3A_320] : memref<8x128x128xf32, #tpu.memory_space<vmem>>, vector<1x128x128xf32>
      %get3A_322 = vector.shape_cast %get3A_321 : vector<1x128x128xf32> to vector<128x128xf32>
      %mul3A_323 = vector.broadcast %get3A_317 : f32 to vector<128x128xf32>
      %mul3A_324 = arith.mulf %mul3A_323, %get3A_322 : vector<128x128xf32>
      %add3A_325 = arith.addf %add3A_314, %mul3A_324 : vector<128x128xf32>
      %get3A_326 = arith.constant 3 : index
      %get3A_327 = arith.constant 3 : index
      %get3A_328 = memref.load %arg1[%get3A_326, %get3A_327] : memref<16x8xf32, #tpu.memory_space<smem>>
      %get3A_329 = arith.constant 3 : index
      %get3A_330 = arith.constant 0 : index
      %get3A_331 = arith.constant 0 : index
      %get3A_332 = vector.load %arg2[%get3A_329, %get3A_330, %get3A_331] : memref<8x128x128xf32, #tpu.memory_space<vmem>>, vector<1x128x128xf32>
      %get3A_333 = vector.shape_cast %get3A_332 : vector<1x128x128xf32> to vector<128x128xf32>
      %mul3A_334 = vector.broadcast %get3A_328 : f32 to vector<128x128xf32>
      %mul3A_335 = arith.mulf %mul3A_334, %get3A_333 : vector<128x128xf32>
      %add3A_336 = arith.addf %add3A_325, %mul3A_335 : vector<128x128xf32>
      %get3A_337 = arith.constant 3 : index
      %get3A_338 = arith.constant 4 : index
      %get3A_339 = memref.load %arg1[%get3A_337, %get3A_338] : memref<16x8xf32, #tpu.memory_space<smem>>
      %get3A_340 = arith.constant 4 : index
      %get3A_341 = arith.constant 0 : index
      %get3A_342 = arith.constant 0 : index
      %get3A_343 = vector.load %arg2[%get3A_340, %get3A_341, %get3A_342] : memref<8x128x128xf32, #tpu.memory_space<vmem>>, vector<1x128x128xf32>
      %get3A_344 = vector.shape_cast %get3A_343 : vector<1x128x128xf32> to vector<128x128xf32>
      %mul3A_345 = vector.broadcast %get3A_339 : f32 to vector<128x128xf32>
      %mul3A_346 = arith.mulf %mul3A_345, %get3A_344 : vector<128x128xf32>
      %add3A_347 = arith.addf %add3A_336, %mul3A_346 : vector<128x128xf32>
      %get3A_348 = arith.constant 3 : index
      %get3A_349 = arith.constant 5 : index
      %get3A_350 = memref.load %arg1[%get3A_348, %get3A_349] : memref<16x8xf32, #tpu.memory_space<smem>>
      %get3A_351 = arith.constant 5 : index
      %get3A_352 = arith.constant 0 : index
      %get3A_353 = arith.constant 0 : index
      %get3A_354 = vector.load %arg2[%get3A_351, %get3A_352, %get3A_353] : memref<8x128x128xf32, #tpu.memory_space<vmem>>, vector<1x128x128xf32>
      %get3A_355 = vector.shape_cast %get3A_354 : vector<1x128x128xf32> to vector<128x128xf32>
      %mul3A_356 = vector.broadcast %get3A_350 : f32 to vector<128x128xf32>
      %mul3A_357 = arith.mulf %mul3A_356, %get3A_355 : vector<128x128xf32>
      %add3A_358 = arith.addf %add3A_347, %mul3A_357 : vector<128x128xf32>
      %get3A_359 = arith.constant 3 : index
      %get3A_360 = arith.constant 6 : index
      %get3A_361 = memref.load %arg1[%get3A_359, %get3A_360] : memref<16x8xf32, #tpu.memory_space<smem>>
      %get3A_362 = arith.constant 6 : index
      %get3A_363 = arith.constant 0 : index
      %get3A_364 = arith.constant 0 : index
      %get3A_365 = vector.load %arg2[%get3A_362, %get3A_363, %get3A_364] : memref<8x128x128xf32, #tpu.memory_space<vmem>>, vector<1x128x128xf32>
      %get3A_366 = vector.shape_cast %get3A_365 : vector<1x128x128xf32> to vector<128x128xf32>
      %mul3A_367 = vector.broadcast %get3A_361 : f32 to vector<128x128xf32>
      %mul3A_368 = arith.mulf %mul3A_367, %get3A_366 : vector<128x128xf32>
      %add3A_369 = arith.addf %add3A_358, %mul3A_368 : vector<128x128xf32>
      %get3A_370 = arith.constant 3 : index
      %get3A_371 = arith.constant 7 : index
      %get3A_372 = memref.load %arg1[%get3A_370, %get3A_371] : memref<16x8xf32, #tpu.memory_space<smem>>
      %get3A_373 = arith.constant 7 : index
      %get3A_374 = arith.constant 0 : index
      %get3A_375 = arith.constant 0 : index
      %get3A_376 = vector.load %arg2[%get3A_373, %get3A_374, %get3A_375] : memref<8x128x128xf32, #tpu.memory_space<vmem>>, vector<1x128x128xf32>
      %get3A_377 = vector.shape_cast %get3A_376 : vector<1x128x128xf32> to vector<128x128xf32>
      %mul3A_378 = vector.broadcast %get3A_372 : f32 to vector<128x128xf32>
      %mul3A_379 = arith.mulf %mul3A_378, %get3A_377 : vector<128x128xf32>
      %add3A_380 = arith.addf %add3A_369, %mul3A_379 : vector<128x128xf32>
      %swap3A_381 = arith.constant 0 : index
      %swap3A_382 = arith.constant 384 : index
      %swap3A_383 = vector.load %arg11[%swap3A_381, %swap3A_382] : memref<128x2048xf32, #tpu.memory_space<vmem>>, vector<128x128xf32>
      tpu.vector_store %arg11[%swap3A_381, %swap3A_382], %add3A_380 {strides = array<i32>} : memref<128x2048xf32, #tpu.memory_space<vmem>>, vector<128x128xf32>,
      %get3A_384 = arith.constant 4 : index
      %get3A_385 = arith.constant 0 : index
      %get3A_386 = memref.load %arg1[%get3A_384, %get3A_385] : memref<16x8xf32, #tpu.memory_space<smem>>
      %get3A_387 = arith.constant 0 : index
      %get3A_388 = arith.constant 0 : index
      %get3A_389 = arith.constant 0 : index
      %get3A_390 = vector.load %arg2[%get3A_387, %get3A_388, %get3A_389] : memref<8x128x128xf32, #tpu.memory_space<vmem>>, vector<1x128x128xf32>
      %get3A_391 = vector.shape_cast %get3A_390 : vector<1x128x128xf32> to vector<128x128xf32>
      %mul3A_392 = vector.broadcast %get3A_386 : f32 to vector<128x128xf32>
      %mul3A_393 = arith.mulf %mul3A_392, %get3A_391 : vector<128x128xf32>
      %get3A_394 = arith.constant 4 : index
      %get3A_395 = arith.constant 1 : index
      %get3A_396 = memref.load %arg1[%get3A_394, %get3A_395] : memref<16x8xf32, #tpu.memory_space<smem>>
      %get3A_397 = arith.constant 1 : index
      %get3A_398 = arith.constant 0 : index
      %get3A_399 = arith.constant 0 : index
      %get3A_400 = vector.load %arg2[%get3A_397, %get3A_398, %get3A_399] : memref<8x128x128xf32, #tpu.memory_space<vmem>>, vector<1x128x128xf32>
      %get3A_401 = vector.shape_cast %get3A_400 : vector<1x128x128xf32> to vector<128x128xf32>
      %mul3A_402 = vector.broadcast %get3A_396 : f32 to vector<128x128xf32>
      %mul3A_403 = arith.mulf %mul3A_402, %get3A_401 : vector<128x128xf32>
      %add3A_404 = arith.addf %mul3A_393, %mul3A_403 : vector<128x128xf32>
      %get3A_405 = arith.constant 4 : index
      %get3A_406 = arith.constant 2 : index
      %get3A_407 = memref.load %arg1[%get3A_405, %get3A_406] : memref<16x8xf32, #tpu.memory_space<smem>>
      %get3A_408 = arith.constant 2 : index
      %get3A_409 = arith.constant 0 : index
      %get3A_410 = arith.constant 0 : index
      %get3A_411 = vector.load %arg2[%get3A_408, %get3A_409, %get3A_410] : memref<8x128x128xf32, #tpu.memory_space<vmem>>, vector<1x128x128xf32>
      %get3A_412 = vector.shape_cast %get3A_411 : vector<1x128x128xf32> to vector<128x128xf32>
      %mul3A_413 = vector.broadcast %get3A_407 : f32 to vector<128x128xf32>
      %mul3A_414 = arith.mulf %mul3A_413, %get3A_412 : vector<128x128xf32>
      %add3A_415 = arith.addf %add3A_404, %mul3A_414 : vector<128x128xf32>
      %get3A_416 = arith.constant 4 : index
      %get3A_417 = arith.constant 3 : index
      %get3A_418 = memref.load %arg1[%get3A_416, %get3A_417] : memref<16x8xf32, #tpu.memory_space<smem>>
      %get3A_419 = arith.constant 3 : index
      %get3A_420 = arith.constant 0 : index
      %get3A_421 = arith.constant 0 : index
      %get3A_422 = vector.load %arg2[%get3A_419, %get3A_420, %get3A_421] : memref<8x128x128xf32, #tpu.memory_space<vmem>>, vector<1x128x128xf32>
      %get3A_423 = vector.shape_cast %get3A_422 : vector<1x128x128xf32> to vector<128x128xf32>
      %mul3A_424 = vector.broadcast %get3A_418 : f32 to vector<128x128xf32>
      %mul3A_425 = arith.mulf %mul3A_424, %get3A_423 : vector<128x128xf32>
      %add3A_426 = arith.addf %add3A_415, %mul3A_425 : vector<128x128xf32>
      %get3A_427 = arith.constant 4 : index
      %get3A_428 = arith.constant 4 : index
      %get3A_429 = memref.load %arg1[%get3A_427, %get3A_428] : memref<16x8xf32, #tpu.memory_space<smem>>
      %get3A_430 = arith.constant 4 : index
      %get3A_431 = arith.constant 0 : index
      %get3A_432 = arith.constant 0 : index
      %get3A_433 = vector.load %arg2[%get3A_430, %get3A_431, %get3A_432] : memref<8x128x128xf32, #tpu.memory_space<vmem>>, vector<1x128x128xf32>
      %get3A_434 = vector.shape_cast %get3A_433 : vector<1x128x128xf32> to vector<128x128xf32>
      %mul3A_435 = vector.broadcast %get3A_429 : f32 to vector<128x128xf32>
      %mul3A_436 = arith.mulf %mul3A_435, %get3A_434 : vector<128x128xf32>
      %add3A_437 = arith.addf %add3A_426, %mul3A_436 : vector<128x128xf32>
      %get3A_438 = arith.constant 4 : index
      %get3A_439 = arith.constant 5 : index
      %get3A_440 = memref.load %arg1[%get3A_438, %get3A_439] : memref<16x8xf32, #tpu.memory_space<smem>>
      %get3A_441 = arith.constant 5 : index
      %get3A_442 = arith.constant 0 : index
      %get3A_443 = arith.constant 0 : index
      %get3A_444 = vector.load %arg2[%get3A_441, %get3A_442, %get3A_443] : memref<8x128x128xf32, #tpu.memory_space<vmem>>, vector<1x128x128xf32>
      %get3A_445 = vector.shape_cast %get3A_444 : vector<1x128x128xf32> to vector<128x128xf32>
      %mul3A_446 = vector.broadcast %get3A_440 : f32 to vector<128x128xf32>
      %mul3A_447 = arith.mulf %mul3A_446, %get3A_445 : vector<128x128xf32>
      %add3A_448 = arith.addf %add3A_437, %mul3A_447 : vector<128x128xf32>
      %get3A_449 = arith.constant 4 : index
      %get3A_450 = arith.constant 6 : index
      %get3A_451 = memref.load %arg1[%get3A_449, %get3A_450] : memref<16x8xf32, #tpu.memory_space<smem>>
      %get3A_452 = arith.constant 6 : index
      %get3A_453 = arith.constant 0 : index
      %get3A_454 = arith.constant 0 : index
      %get3A_455 = vector.load %arg2[%get3A_452, %get3A_453, %get3A_454] : memref<8x128x128xf32, #tpu.memory_space<vmem>>, vector<1x128x128xf32>
      %get3A_456 = vector.shape_cast %get3A_455 : vector<1x128x128xf32> to vector<128x128xf32>
      %mul3A_457 = vector.broadcast %get3A_451 : f32 to vector<128x128xf32>
      %mul3A_458 = arith.mulf %mul3A_457, %get3A_456 : vector<128x128xf32>
      %add3A_459 = arith.addf %add3A_448, %mul3A_458 : vector<128x128xf32>
      %get3A_460 = arith.constant 4 : index
      %get3A_461 = arith.constant 7 : index
      %get3A_462 = memref.load %arg1[%get3A_460, %get3A_461] : memref<16x8xf32, #tpu.memory_space<smem>>
      %get3A_463 = arith.constant 7 : index
      %get3A_464 = arith.constant 0 : index
      %get3A_465 = arith.constant 0 : index
      %get3A_466 = vector.load %arg2[%get3A_463, %get3A_464, %get3A_465] : memref<8x128x128xf32, #tpu.memory_space<vmem>>, vector<1x128x128xf32>
      %get3A_467 = vector.shape_cast %get3A_466 : vector<1x128x128xf32> to vector<128x128xf32>
      %mul3A_468 = vector.broadcast %get3A_462 : f32 to vector<128x128xf32>
      %mul3A_469 = arith.mulf %mul3A_468, %get3A_467 : vector<128x128xf32>
      %add3A_470 = arith.addf %add3A_459, %mul3A_469 : vector<128x128xf32>
      %swap3A_471 = arith.constant 0 : index
      %swap3A_472 = arith.constant 512 : index
      %swap3A_473 = vector.load %arg11[%swap3A_471, %swap3A_472] : memref<128x2048xf32, #tpu.memory_space<vmem>>, vector<128x128xf32>
      tpu.vector_store %arg11[%swap3A_471, %swap3A_472], %add3A_470 {strides = array<i32>} : memref<128x2048xf32, #tpu.memory_space<vmem>>, vector<128x128xf32>,
      %get3A_474 = arith.constant 5 : index
      %get3A_475 = arith.constant 0 : index
      %get3A_476 = memref.load %arg1[%get3A_474, %get3A_475] : memref<16x8xf32, #tpu.memory_space<smem>>
      %get3A_477 = arith.constant 0 : index
      %get3A_478 = arith.constant 0 : index
      %get3A_479 = arith.constant 0 : index
      %get3A_480 = vector.load %arg2[%get3A_477, %get3A_478, %get3A_479] : memref<8x128x128xf32, #tpu.memory_space<vmem>>, vector<1x128x128xf32>
      %get3A_481 = vector.shape_cast %get3A_480 : vector<1x128x128xf32> to vector<128x128xf32>
      %mul3A_482 = vector.broadcast %get3A_476 : f32 to vector<128x128xf32>
      %mul3A_483 = arith.mulf %mul3A_482, %get3A_481 : vector<128x128xf32>
      %get3A_484 = arith.constant 5 : index
      %get3A_485 = arith.constant 1 : index
      %get3A_486 = memref.load %arg1[%get3A_484, %get3A_485] : memref<16x8xf32, #tpu.memory_space<smem>>
      %get3A_487 = arith.constant 1 : index
      %get3A_488 = arith.constant 0 : index
      %get3A_489 = arith.constant 0 : index
      %get3A_490 = vector.load %arg2[%get3A_487, %get3A_488, %get3A_489] : memref<8x128x128xf32, #tpu.memory_space<vmem>>, vector<1x128x128xf32>
      %get3A_491 = vector.shape_cast %get3A_490 : vector<1x128x128xf32> to vector<128x128xf32>
      %mul3A_492 = vector.broadcast %get3A_486 : f32 to vector<128x128xf32>
      %mul3A_493 = arith.mulf %mul3A_492, %get3A_491 : vector<128x128xf32>
      %add3A_494 = arith.addf %mul3A_483, %mul3A_493 : vector<128x128xf32>
      %get3A_495 = arith.constant 5 : index
      %get3A_496 = arith.constant 2 : index
      %get3A_497 = memref.load %arg1[%get3A_495, %get3A_496] : memref<16x8xf32, #tpu.memory_space<smem>>
      %get3A_498 = arith.constant 2 : index
      %get3A_499 = arith.constant 0 : index
      %get3A_500 = arith.constant 0 : index
      %get3A_501 = vector.load %arg2[%get3A_498, %get3A_499, %get3A_500] : memref<8x128x128xf32, #tpu.memory_space<vmem>>, vector<1x128x128xf32>
      %get3A_502 = vector.shape_cast %get3A_501 : vector<1x128x128xf32> to vector<128x128xf32>
      %mul3A_503 = vector.broadcast %get3A_497 : f32 to vector<128x128xf32>
      %mul3A_504 = arith.mulf %mul3A_503, %get3A_502 : vector<128x128xf32>
      %add3A_505 = arith.addf %add3A_494, %mul3A_504 : vector<128x128xf32>
      %get3A_506 = arith.constant 5 : index
      %get3A_507 = arith.constant 3 : index
      %get3A_508 = memref.load %arg1[%get3A_506, %get3A_507] : memref<16x8xf32, #tpu.memory_space<smem>>
      %get3A_509 = arith.constant 3 : index
      %get3A_510 = arith.constant 0 : index
      %get3A_511 = arith.constant 0 : index
      %get3A_512 = vector.load %arg2[%get3A_509, %get3A_510, %get3A_511] : memref<8x128x128xf32, #tpu.memory_space<vmem>>, vector<1x128x128xf32>
      %get3A_513 = vector.shape_cast %get3A_512 : vector<1x128x128xf32> to vector<128x128xf32>
      %mul3A_514 = vector.broadcast %get3A_508 : f32 to vector<128x128xf32>
      %mul3A_515 = arith.mulf %mul3A_514, %get3A_513 : vector<128x128xf32>
      %add3A_516 = arith.addf %add3A_505, %mul3A_515 : vector<128x128xf32>
      %get3A_517 = arith.constant 5 : index
      %get3A_518 = arith.constant 4 : index
      %get3A_519 = memref.load %arg1[%get3A_517, %get3A_518] : memref<16x8xf32, #tpu.memory_space<smem>>
      %get3A_520 = arith.constant 4 : index
      %get3A_521 = arith.constant 0 : index
      %get3A_522 = arith.constant 0 : index
      %get3A_523 = vector.load %arg2[%get3A_520, %get3A_521, %get3A_522] : memref<8x128x128xf32, #tpu.memory_space<vmem>>, vector<1x128x128xf32>
      %get3A_524 = vector.shape_cast %get3A_523 : vector<1x128x128xf32> to vector<128x128xf32>
      %mul3A_525 = vector.broadcast %get3A_519 : f32 to vector<128x128xf32>
      %mul3A_526 = arith.mulf %mul3A_525, %get3A_524 : vector<128x128xf32>
      %add3A_527 = arith.addf %add3A_516, %mul3A_526 : vector<128x128xf32>
      %get3A_528 = arith.constant 5 : index
      %get3A_529 = arith.constant 5 : index
      %get3A_530 = memref.load %arg1[%get3A_528, %get3A_529] : memref<16x8xf32, #tpu.memory_space<smem>>
      %get3A_531 = arith.constant 5 : index
      %get3A_532 = arith.constant 0 : index
      %get3A_533 = arith.constant 0 : index
      %get3A_534 = vector.load %arg2[%get3A_531, %get3A_532, %get3A_533] : memref<8x128x128xf32, #tpu.memory_space<vmem>>, vector<1x128x128xf32>
      %get3A_535 = vector.shape_cast %get3A_534 : vector<1x128x128xf32> to vector<128x128xf32>
      %mul3A_536 = vector.broadcast %get3A_530 : f32 to vector<128x128xf32>
      %mul3A_537 = arith.mulf %mul3A_536, %get3A_535 : vector<128x128xf32>
      %add3A_538 = arith.addf %add3A_527, %mul3A_537 : vector<128x128xf32>
      %get3A_539 = arith.constant 5 : index
      %get3A_540 = arith.constant 6 : index
      %get3A_541 = memref.load %arg1[%get3A_539, %get3A_540] : memref<16x8xf32, #tpu.memory_space<smem>>
      %get3A_542 = arith.constant 6 : index
      %get3A_543 = arith.constant 0 : index
      %get3A_544 = arith.constant 0 : index
      %get3A_545 = vector.load %arg2[%get3A_542, %get3A_543, %get3A_544] : memref<8x128x128xf32, #tpu.memory_space<vmem>>, vector<1x128x128xf32>
      %get3A_546 = vector.shape_cast %get3A_545 : vector<1x128x128xf32> to vector<128x128xf32>
      %mul3A_547 = vector.broadcast %get3A_541 : f32 to vector<128x128xf32>
      %mul3A_548 = arith.mulf %mul3A_547, %get3A_546 : vector<128x128xf32>
      %add3A_549 = arith.addf %add3A_538, %mul3A_548 : vector<128x128xf32>
      %get3A_550 = arith.constant 5 : index
      %get3A_551 = arith.constant 7 : index
      %get3A_552 = memref.load %arg1[%get3A_550, %get3A_551] : memref<16x8xf32, #tpu.memory_space<smem>>
      %get3A_553 = arith.constant 7 : index
      %get3A_554 = arith.constant 0 : index
      %get3A_555 = arith.constant 0 : index
      %get3A_556 = vector.load %arg2[%get3A_553, %get3A_554, %get3A_555] : memref<8x128x128xf32, #tpu.memory_space<vmem>>, vector<1x128x128xf32>
      %get3A_557 = vector.shape_cast %get3A_556 : vector<1x128x128xf32> to vector<128x128xf32>
      %mul3A_558 = vector.broadcast %get3A_552 : f32 to vector<128x128xf32>
      %mul3A_559 = arith.mulf %mul3A_558, %get3A_557 : vector<128x128xf32>
      %add3A_560 = arith.addf %add3A_549, %mul3A_559 : vector<128x128xf32>
      %swap3A_561 = arith.constant 0 : index
      %swap3A_562 = arith.constant 640 : index
      %swap3A_563 = vector.load %arg11[%swap3A_561, %swap3A_562] : memref<128x2048xf32, #tpu.memory_space<vmem>>, vector<128x128xf32>
      tpu.vector_store %arg11[%swap3A_561, %swap3A_562], %add3A_560 {strides = array<i32>} : memref<128x2048xf32, #tpu.memory_space<vmem>>, vector<128x128xf32>,
      %get3A_564 = arith.constant 6 : index
      %get3A_565 = arith.constant 0 : index
      %get3A_566 = memref.load %arg1[%get3A_564, %get3A_565] : memref<16x8xf32, #tpu.memory_space<smem>>
      %get3A_567 = arith.constant 0 : index
      %get3A_568 = arith.constant 0 : index
      %get3A_569 = arith.constant 0 : index
      %get3A_570 = vector.load %arg2[%get3A_567, %get3A_568, %get3A_569] : memref<8x128x128xf32, #tpu.memory_space<vmem>>, vector<1x128x128xf32>
      %get3A_571 = vector.shape_cast %get3A_570 : vector<1x128x128xf32> to vector<128x128xf32>
      %mul3A_572 = vector.broadcast %get3A_566 : f32 to vector<128x128xf32>
      %mul3A_573 = arith.mulf %mul3A_572, %get3A_571 : vector<128x128xf32>
      %get3A_574 = arith.constant 6 : index
      %get3A_575 = arith.constant 1 : index
      %get3A_576 = memref.load %arg1[%get3A_574, %get3A_575] : memref<16x8xf32, #tpu.memory_space<smem>>
      %get3A_577 = arith.constant 1 : index
      %get3A_578 = arith.constant 0 : index
      %get3A_579 = arith.constant 0 : index
      %get3A_580 = vector.load %arg2[%get3A_577, %get3A_578, %get3A_579] : memref<8x128x128xf32, #tpu.memory_space<vmem>>, vector<1x128x128xf32>
      %get3A_581 = vector.shape_cast %get3A_580 : vector<1x128x128xf32> to vector<128x128xf32>
      %mul3A_582 = vector.broadcast %get3A_576 : f32 to vector<128x128xf32>
      %mul3A_583 = arith.mulf %mul3A_582, %get3A_581 : vector<128x128xf32>
      %add3A_584 = arith.addf %mul3A_573, %mul3A_583 : vector<128x128xf32>
      %get3A_585 = arith.constant 6 : index
      %get3A_586 = arith.constant 2 : index
      %get3A_587 = memref.load %arg1[%get3A_585, %get3A_586] : memref<16x8xf32, #tpu.memory_space<smem>>
      %get3A_588 = arith.constant 2 : index
      %get3A_589 = arith.constant 0 : index
      %get3A_590 = arith.constant 0 : index
      %get3A_591 = vector.load %arg2[%get3A_588, %get3A_589, %get3A_590] : memref<8x128x128xf32, #tpu.memory_space<vmem>>, vector<1x128x128xf32>
      %get3A_592 = vector.shape_cast %get3A_591 : vector<1x128x128xf32> to vector<128x128xf32>
      %mul3A_593 = vector.broadcast %get3A_587 : f32 to vector<128x128xf32>
      %mul3A_594 = arith.mulf %mul3A_593, %get3A_592 : vector<128x128xf32>
      %add3A_595 = arith.addf %add3A_584, %mul3A_594 : vector<128x128xf32>
      %get3A_596 = arith.constant 6 : index
      %get3A_597 = arith.constant 3 : index
      %get3A_598 = memref.load %arg1[%get3A_596, %get3A_597] : memref<16x8xf32, #tpu.memory_space<smem>>
      %get3A_599 = arith.constant 3 : index
      %get3A_600 = arith.constant 0 : index
      %get3A_601 = arith.constant 0 : index
      %get3A_602 = vector.load %arg2[%get3A_599, %get3A_600, %get3A_601] : memref<8x128x128xf32, #tpu.memory_space<vmem>>, vector<1x128x128xf32>
      %get3A_603 = vector.shape_cast %get3A_602 : vector<1x128x128xf32> to vector<128x128xf32>
      %mul3A_604 = vector.broadcast %get3A_598 : f32 to vector<128x128xf32>
      %mul3A_605 = arith.mulf %mul3A_604, %get3A_603 : vector<128x128xf32>
      %add3A_606 = arith.addf %add3A_595, %mul3A_605 : vector<128x128xf32>
      %get3A_607 = arith.constant 6 : index
      %get3A_608 = arith.constant 4 : index
      %get3A_609 = memref.load %arg1[%get3A_607, %get3A_608] : memref<16x8xf32, #tpu.memory_space<smem>>
      %get3A_610 = arith.constant 4 : index
      %get3A_611 = arith.constant 0 : index
      %get3A_612 = arith.constant 0 : index
      %get3A_613 = vector.load %arg2[%get3A_610, %get3A_611, %get3A_612] : memref<8x128x128xf32, #tpu.memory_space<vmem>>, vector<1x128x128xf32>
      %get3A_614 = vector.shape_cast %get3A_613 : vector<1x128x128xf32> to vector<128x128xf32>
      %mul3A_615 = vector.broadcast %get3A_609 : f32 to vector<128x128xf32>
      %mul3A_616 = arith.mulf %mul3A_615, %get3A_614 : vector<128x128xf32>
      %add3A_617 = arith.addf %add3A_606, %mul3A_616 : vector<128x128xf32>
      %get3A_618 = arith.constant 6 : index
      %get3A_619 = arith.constant 5 : index
      %get3A_620 = memref.load %arg1[%get3A_618, %get3A_619] : memref<16x8xf32, #tpu.memory_space<smem>>
      %get3A_621 = arith.constant 5 : index
      %get3A_622 = arith.constant 0 : index
      %get3A_623 = arith.constant 0 : index
      %get3A_624 = vector.load %arg2[%get3A_621, %get3A_622, %get3A_623] : memref<8x128x128xf32, #tpu.memory_space<vmem>>, vector<1x128x128xf32>
      %get3A_625 = vector.shape_cast %get3A_624 : vector<1x128x128xf32> to vector<128x128xf32>
      %mul3A_626 = vector.broadcast %get3A_620 : f32 to vector<128x128xf32>
      %mul3A_627 = arith.mulf %mul3A_626, %get3A_625 : vector<128x128xf32>
      %add3A_628 = arith.addf %add3A_617, %mul3A_627 : vector<128x128xf32>
      %get3A_629 = arith.constant 6 : index
      %get3A_630 = arith.constant 6 : index
      %get3A_631 = memref.load %arg1[%get3A_629, %get3A_630] : memref<16x8xf32, #tpu.memory_space<smem>>
      %get3A_632 = arith.constant 6 : index
      %get3A_633 = arith.constant 0 : index
      %get3A_634 = arith.constant 0 : index
      %get3A_635 = vector.load %arg2[%get3A_632, %get3A_633, %get3A_634] : memref<8x128x128xf32, #tpu.memory_space<vmem>>, vector<1x128x128xf32>
      %get3A_636 = vector.shape_cast %get3A_635 : vector<1x128x128xf32> to vector<128x128xf32>
      %mul3A_637 = vector.broadcast %get3A_631 : f32 to vector<128x128xf32>
      %mul3A_638 = arith.mulf %mul3A_637, %get3A_636 : vector<128x128xf32>
      %add3A_639 = arith.addf %add3A_628, %mul3A_638 : vector<128x128xf32>
      %get3A_640 = arith.constant 6 : index
      %get3A_641 = arith.constant 7 : index
      %get3A_642 = memref.load %arg1[%get3A_640, %get3A_641] : memref<16x8xf32, #tpu.memory_space<smem>>
      %get3A_643 = arith.constant 7 : index
      %get3A_644 = arith.constant 0 : index
      %get3A_645 = arith.constant 0 : index
      %get3A_646 = vector.load %arg2[%get3A_643, %get3A_644, %get3A_645] : memref<8x128x128xf32, #tpu.memory_space<vmem>>, vector<1x128x128xf32>
      %get3A_647 = vector.shape_cast %get3A_646 : vector<1x128x128xf32> to vector<128x128xf32>
      %mul3A_648 = vector.broadcast %get3A_642 : f32 to vector<128x128xf32>
      %mul3A_649 = arith.mulf %mul3A_648, %get3A_647 : vector<128x128xf32>
      %add3A_650 = arith.addf %add3A_639, %mul3A_649 : vector<128x128xf32>
      %swap3A_651 = arith.constant 0 : index
      %swap3A_652 = arith.constant 768 : index
      %swap3A_653 = vector.load %arg11[%swap3A_651, %swap3A_652] : memref<128x2048xf32, #tpu.memory_space<vmem>>, vector<128x128xf32>
      tpu.vector_store %arg11[%swap3A_651, %swap3A_652], %add3A_650 {strides = array<i32>} : memref<128x2048xf32, #tpu.memory_space<vmem>>, vector<128x128xf32>,
      %get3A_654 = arith.constant 7 : index
      %get3A_655 = arith.constant 0 : index
      %get3A_656 = memref.load %arg1[%get3A_654, %get3A_655] : memref<16x8xf32, #tpu.memory_space<smem>>
      %get3A_657 = arith.constant 0 : index
      %get3A_658 = arith.constant 0 : index
      %get3A_659 = arith.constant 0 : index
      %get3A_660 = vector.load %arg2[%get3A_657, %get3A_658, %get3A_659] : memref<8x128x128xf32, #tpu.memory_space<vmem>>, vector<1x128x128xf32>
      %get3A_661 = vector.shape_cast %get3A_660 : vector<1x128x128xf32> to vector<128x128xf32>
      %mul3A_662 = vector.broadcast %get3A_656 : f32 to vector<128x128xf32>
      %mul3A_663 = arith.mulf %mul3A_662, %get3A_661 : vector<128x128xf32>
      %get3A_664 = arith.constant 7 : index
      %get3A_665 = arith.constant 1 : index
      %get3A_666 = memref.load %arg1[%get3A_664, %get3A_665] : memref<16x8xf32, #tpu.memory_space<smem>>
      %get3A_667 = arith.constant 1 : index
      %get3A_668 = arith.constant 0 : index
      %get3A_669 = arith.constant 0 : index
      %get3A_670 = vector.load %arg2[%get3A_667, %get3A_668, %get3A_669] : memref<8x128x128xf32, #tpu.memory_space<vmem>>, vector<1x128x128xf32>
      %get3A_671 = vector.shape_cast %get3A_670 : vector<1x128x128xf32> to vector<128x128xf32>
      %mul3A_672 = vector.broadcast %get3A_666 : f32 to vector<128x128xf32>
      %mul3A_673 = arith.mulf %mul3A_672, %get3A_671 : vector<128x128xf32>
      %add3A_674 = arith.addf %mul3A_663, %mul3A_673 : vector<128x128xf32>
      %get3A_675 = arith.constant 7 : index
      %get3A_676 = arith.constant 2 : index
      %get3A_677 = memref.load %arg1[%get3A_675, %get3A_676] : memref<16x8xf32, #tpu.memory_space<smem>>
      %get3A_678 = arith.constant 2 : index
      %get3A_679 = arith.constant 0 : index
      %get3A_680 = arith.constant 0 : index
      %get3A_681 = vector.load %arg2[%get3A_678, %get3A_679, %get3A_680] : memref<8x128x128xf32, #tpu.memory_space<vmem>>, vector<1x128x128xf32>
      %get3A_682 = vector.shape_cast %get3A_681 : vector<1x128x128xf32> to vector<128x128xf32>
      %mul3A_683 = vector.broadcast %get3A_677 : f32 to vector<128x128xf32>
      %mul3A_684 = arith.mulf %mul3A_683, %get3A_682 : vector<128x128xf32>
      %add3A_685 = arith.addf %add3A_674, %mul3A_684 : vector<128x128xf32>
      %get3A_686 = arith.constant 7 : index
      %get3A_687 = arith.constant 3 : index
      %get3A_688 = memref.load %arg1[%get3A_686, %get3A_687] : memref<16x8xf32, #tpu.memory_space<smem>>
      %get3A_689 = arith.constant 3 : index
      %get3A_690 = arith.constant 0 : index
      %get3A_691 = arith.constant 0 : index
      %get3A_692 = vector.load %arg2[%get3A_689, %get3A_690, %get3A_691] : memref<8x128x128xf32, #tpu.memory_space<vmem>>, vector<1x128x128xf32>
      %get3A_693 = vector.shape_cast %get3A_692 : vector<1x128x128xf32> to vector<128x128xf32>
      %mul3A_694 = vector.broadcast %get3A_688 : f32 to vector<128x128xf32>
      %mul3A_695 = arith.mulf %mul3A_694, %get3A_693 : vector<128x128xf32>
      %add3A_696 = arith.addf %add3A_685, %mul3A_695 : vector<128x128xf32>
      %get3A_697 = arith.constant 7 : index
      %get3A_698 = arith.constant 4 : index
      %get3A_699 = memref.load %arg1[%get3A_697, %get3A_698] : memref<16x8xf32, #tpu.memory_space<smem>>
      %get3A_700 = arith.constant 4 : index
      %get3A_701 = arith.constant 0 : index
      %get3A_702 = arith.constant 0 : index
      %get3A_703 = vector.load %arg2[%get3A_700, %get3A_701, %get3A_702] : memref<8x128x128xf32, #tpu.memory_space<vmem>>, vector<1x128x128xf32>
      %get3A_704 = vector.shape_cast %get3A_703 : vector<1x128x128xf32> to vector<128x128xf32>
      %mul3A_705 = vector.broadcast %get3A_699 : f32 to vector<128x128xf32>
      %mul3A_706 = arith.mulf %mul3A_705, %get3A_704 : vector<128x128xf32>
      %add3A_707 = arith.addf %add3A_696, %mul3A_706 : vector<128x128xf32>
      %get3A_708 = arith.constant 7 : index
      %get3A_709 = arith.constant 5 : index
      %get3A_710 = memref.load %arg1[%get3A_708, %get3A_709] : memref<16x8xf32, #tpu.memory_space<smem>>
      %get3A_711 = arith.constant 5 : index
      %get3A_712 = arith.constant 0 : index
      %get3A_713 = arith.constant 0 : index
      %get3A_714 = vector.load %arg2[%get3A_711, %get3A_712, %get3A_713] : memref<8x128x128xf32, #tpu.memory_space<vmem>>, vector<1x128x128xf32>
      %get3A_715 = vector.shape_cast %get3A_714 : vector<1x128x128xf32> to vector<128x128xf32>
      %mul3A_716 = vector.broadcast %get3A_710 : f32 to vector<128x128xf32>
      %mul3A_717 = arith.mulf %mul3A_716, %get3A_715 : vector<128x128xf32>
      %add3A_718 = arith.addf %add3A_707, %mul3A_717 : vector<128x128xf32>
      %get3A_719 = arith.constant 7 : index
      %get3A_720 = arith.constant 6 : index
      %get3A_721 = memref.load %arg1[%get3A_719, %get3A_720] : memref<16x8xf32, #tpu.memory_space<smem>>
      %get3A_722 = arith.constant 6 : index
      %get3A_723 = arith.constant 0 : index
      %get3A_724 = arith.constant 0 : index
      %get3A_725 = vector.load %arg2[%get3A_722, %get3A_723, %get3A_724] : memref<8x128x128xf32, #tpu.memory_space<vmem>>, vector<1x128x128xf32>
      %get3A_726 = vector.shape_cast %get3A_725 : vector<1x128x128xf32> to vector<128x128xf32>
      %mul3A_727 = vector.broadcast %get3A_721 : f32 to vector<128x128xf32>
      %mul3A_728 = arith.mulf %mul3A_727, %get3A_726 : vector<128x128xf32>
      %add3A_729 = arith.addf %add3A_718, %mul3A_728 : vector<128x128xf32>
      %get3A_730 = arith.constant 7 : index
      %get3A_731 = arith.constant 7 : index
      %get3A_732 = memref.load %arg1[%get3A_730, %get3A_731] : memref<16x8xf32, #tpu.memory_space<smem>>
      %get3A_733 = arith.constant 7 : index
      %get3A_734 = arith.constant 0 : index
      %get3A_735 = arith.constant 0 : index
      %get3A_736 = vector.load %arg2[%get3A_733, %get3A_734, %get3A_735] : memref<8x128x128xf32, #tpu.memory_space<vmem>>, vector<1x128x128xf32>
      %get3A_737 = vector.shape_cast %get3A_736 : vector<1x128x128xf32> to vector<128x128xf32>
      %mul3A_738 = vector.broadcast %get3A_732 : f32 to vector<128x128xf32>
      %mul3A_739 = arith.mulf %mul3A_738, %get3A_737 : vector<128x128xf32>
      %add3A_740 = arith.addf %add3A_729, %mul3A_739 : vector<128x128xf32>
      %swap3A_741 = arith.constant 0 : index
      %swap3A_742 = arith.constant 896 : index
      %swap3A_743 = vector.load %arg11[%swap3A_741, %swap3A_742] : memref<128x2048xf32, #tpu.memory_space<vmem>>, vector<128x128xf32>
      tpu.vector_store %arg11[%swap3A_741, %swap3A_742], %add3A_740 {strides = array<i32>} : memref<128x2048xf32, #tpu.memory_space<vmem>>, vector<128x128xf32>,
      %get3A_744 = arith.constant 8 : index
      %get3A_745 = arith.constant 0 : index
      %get3A_746 = memref.load %arg1[%get3A_744, %get3A_745] : memref<16x8xf32, #tpu.memory_space<smem>>
      %get3A_747 = arith.constant 0 : index
      %get3A_748 = arith.constant 0 : index
      %get3A_749 = arith.constant 0 : index
      %get3A_750 = vector.load %arg2[%get3A_747, %get3A_748, %get3A_749] : memref<8x128x128xf32, #tpu.memory_space<vmem>>, vector<1x128x128xf32>
      %get3A_751 = vector.shape_cast %get3A_750 : vector<1x128x128xf32> to vector<128x128xf32>
      %mul3A_752 = vector.broadcast %get3A_746 : f32 to vector<128x128xf32>
      %mul3A_753 = arith.mulf %mul3A_752, %get3A_751 : vector<128x128xf32>
      %get3A_754 = arith.constant 8 : index
      %get3A_755 = arith.constant 1 : index
      %get3A_756 = memref.load %arg1[%get3A_754, %get3A_755] : memref<16x8xf32, #tpu.memory_space<smem>>
      %get3A_757 = arith.constant 1 : index
      %get3A_758 = arith.constant 0 : index
      %get3A_759 = arith.constant 0 : index
      %get3A_760 = vector.load %arg2[%get3A_757, %get3A_758, %get3A_759] : memref<8x128x128xf32, #tpu.memory_space<vmem>>, vector<1x128x128xf32>
      %get3A_761 = vector.shape_cast %get3A_760 : vector<1x128x128xf32> to vector<128x128xf32>
      %mul3A_762 = vector.broadcast %get3A_756 : f32 to vector<128x128xf32>
      %mul3A_763 = arith.mulf %mul3A_762, %get3A_761 : vector<128x128xf32>
      %add3A_764 = arith.addf %mul3A_753, %mul3A_763 : vector<128x128xf32>
      %get3A_765 = arith.constant 8 : index
      %get3A_766 = arith.constant 2 : index
      %get3A_767 = memref.load %arg1[%get3A_765, %get3A_766] : memref<16x8xf32, #tpu.memory_space<smem>>
      %get3A_768 = arith.constant 2 : index
      %get3A_769 = arith.constant 0 : index
      %get3A_770 = arith.constant 0 : index
      %get3A_771 = vector.load %arg2[%get3A_768, %get3A_769, %get3A_770] : memref<8x128x128xf32, #tpu.memory_space<vmem>>, vector<1x128x128xf32>
      %get3A_772 = vector.shape_cast %get3A_771 : vector<1x128x128xf32> to vector<128x128xf32>
      %mul3A_773 = vector.broadcast %get3A_767 : f32 to vector<128x128xf32>
      %mul3A_774 = arith.mulf %mul3A_773, %get3A_772 : vector<128x128xf32>
      %add3A_775 = arith.addf %add3A_764, %mul3A_774 : vector<128x128xf32>
      %get3A_776 = arith.constant 8 : index
      %get3A_777 = arith.constant 3 : index
      %get3A_778 = memref.load %arg1[%get3A_776, %get3A_777] : memref<16x8xf32, #tpu.memory_space<smem>>
      %get3A_779 = arith.constant 3 : index
      %get3A_780 = arith.constant 0 : index
      %get3A_781 = arith.constant 0 : index
      %get3A_782 = vector.load %arg2[%get3A_779, %get3A_780, %get3A_781] : memref<8x128x128xf32, #tpu.memory_space<vmem>>, vector<1x128x128xf32>
      %get3A_783 = vector.shape_cast %get3A_782 : vector<1x128x128xf32> to vector<128x128xf32>
      %mul3A_784 = vector.broadcast %get3A_778 : f32 to vector<128x128xf32>
      %mul3A_785 = arith.mulf %mul3A_784, %get3A_783 : vector<128x128xf32>
      %add3A_786 = arith.addf %add3A_775, %mul3A_785 : vector<128x128xf32>
      %get3A_787 = arith.constant 8 : index
      %get3A_788 = arith.constant 4 : index
      %get3A_789 = memref.load %arg1[%get3A_787, %get3A_788] : memref<16x8xf32, #tpu.memory_space<smem>>
      %get3A_790 = arith.constant 4 : index
      %get3A_791 = arith.constant 0 : index
      %get3A_792 = arith.constant 0 : index
      %get3A_793 = vector.load %arg2[%get3A_790, %get3A_791, %get3A_792] : memref<8x128x128xf32, #tpu.memory_space<vmem>>, vector<1x128x128xf32>
      %get3A_794 = vector.shape_cast %get3A_793 : vector<1x128x128xf32> to vector<128x128xf32>
      %mul3A_795 = vector.broadcast %get3A_789 : f32 to vector<128x128xf32>
      %mul3A_796 = arith.mulf %mul3A_795, %get3A_794 : vector<128x128xf32>
      %add3A_797 = arith.addf %add3A_786, %mul3A_796 : vector<128x128xf32>
      %get3A_798 = arith.constant 8 : index
      %get3A_799 = arith.constant 5 : index
      %get3A_800 = memref.load %arg1[%get3A_798, %get3A_799] : memref<16x8xf32, #tpu.memory_space<smem>>
      %get3A_801 = arith.constant 5 : index
      %get3A_802 = arith.constant 0 : index
      %get3A_803 = arith.constant 0 : index
      %get3A_804 = vector.load %arg2[%get3A_801, %get3A_802, %get3A_803] : memref<8x128x128xf32, #tpu.memory_space<vmem>>, vector<1x128x128xf32>
      %get3A_805 = vector.shape_cast %get3A_804 : vector<1x128x128xf32> to vector<128x128xf32>
      %mul3A_806 = vector.broadcast %get3A_800 : f32 to vector<128x128xf32>
      %mul3A_807 = arith.mulf %mul3A_806, %get3A_805 : vector<128x128xf32>
      %add3A_808 = arith.addf %add3A_797, %mul3A_807 : vector<128x128xf32>
      %get3A_809 = arith.constant 8 : index
      %get3A_810 = arith.constant 6 : index
      %get3A_811 = memref.load %arg1[%get3A_809, %get3A_810] : memref<16x8xf32, #tpu.memory_space<smem>>
      %get3A_812 = arith.constant 6 : index
      %get3A_813 = arith.constant 0 : index
      %get3A_814 = arith.constant 0 : index
      %get3A_815 = vector.load %arg2[%get3A_812, %get3A_813, %get3A_814] : memref<8x128x128xf32, #tpu.memory_space<vmem>>, vector<1x128x128xf32>
      %get3A_816 = vector.shape_cast %get3A_815 : vector<1x128x128xf32> to vector<128x128xf32>
      %mul3A_817 = vector.broadcast %get3A_811 : f32 to vector<128x128xf32>
      %mul3A_818 = arith.mulf %mul3A_817, %get3A_816 : vector<128x128xf32>
      %add3A_819 = arith.addf %add3A_808, %mul3A_818 : vector<128x128xf32>
      %get3A_820 = arith.constant 8 : index
      %get3A_821 = arith.constant 7 : index
      %get3A_822 = memref.load %arg1[%get3A_820, %get3A_821] : memref<16x8xf32, #tpu.memory_space<smem>>
      %get3A_823 = arith.constant 7 : index
      %get3A_824 = arith.constant 0 : index
      %get3A_825 = arith.constant 0 : index
      %get3A_826 = vector.load %arg2[%get3A_823, %get3A_824, %get3A_825] : memref<8x128x128xf32, #tpu.memory_space<vmem>>, vector<1x128x128xf32>
      %get3A_827 = vector.shape_cast %get3A_826 : vector<1x128x128xf32> to vector<128x128xf32>
      %mul3A_828 = vector.broadcast %get3A_822 : f32 to vector<128x128xf32>
      %mul3A_829 = arith.mulf %mul3A_828, %get3A_827 : vector<128x128xf32>
      %add3A_830 = arith.addf %add3A_819, %mul3A_829 : vector<128x128xf32>
      %swap3A_831 = arith.constant 0 : index
      %swap3A_832 = arith.constant 1024 : index
      %swap3A_833 = vector.load %arg11[%swap3A_831, %swap3A_832] : memref<128x2048xf32, #tpu.memory_space<vmem>>, vector<128x128xf32>
      tpu.vector_store %arg11[%swap3A_831, %swap3A_832], %add3A_830 {strides = array<i32>} : memref<128x2048xf32, #tpu.memory_space<vmem>>, vector<128x128xf32>,
      %get3A_834 = arith.constant 9 : index
      %get3A_835 = arith.constant 0 : index
      %get3A_836 = memref.load %arg1[%get3A_834, %get3A_835] : memref<16x8xf32, #tpu.memory_space<smem>>
      %get3A_837 = arith.constant 0 : index
      %get3A_838 = arith.constant 0 : index
      %get3A_839 = arith.constant 0 : index
      %get3A_840 = vector.load %arg2[%get3A_837, %get3A_838, %get3A_839] : memref<8x128x128xf32, #tpu.memory_space<vmem>>, vector<1x128x128xf32>
      %get3A_841 = vector.shape_cast %get3A_840 : vector<1x128x128xf32> to vector<128x128xf32>
      %mul3A_842 = vector.broadcast %get3A_836 : f32 to vector<128x128xf32>
      %mul3A_843 = arith.mulf %mul3A_842, %get3A_841 : vector<128x128xf32>
      %get3A_844 = arith.constant 9 : index
      %get3A_845 = arith.constant 1 : index
      %get3A_846 = memref.load %arg1[%get3A_844, %get3A_845] : memref<16x8xf32, #tpu.memory_space<smem>>
      %get3A_847 = arith.constant 1 : index
      %get3A_848 = arith.constant 0 : index
      %get3A_849 = arith.constant 0 : index
      %get3A_850 = vector.load %arg2[%get3A_847, %get3A_848, %get3A_849] : memref<8x128x128xf32, #tpu.memory_space<vmem>>, vector<1x128x128xf32>
      %get3A_851 = vector.shape_cast %get3A_850 : vector<1x128x128xf32> to vector<128x128xf32>
      %mul3A_852 = vector.broadcast %get3A_846 : f32 to vector<128x128xf32>
      %mul3A_853 = arith.mulf %mul3A_852, %get3A_851 : vector<128x128xf32>
      %add3A_854 = arith.addf %mul3A_843, %mul3A_853 : vector<128x128xf32>
      %get3A_855 = arith.constant 9 : index
      %get3A_856 = arith.constant 2 : index
      %get3A_857 = memref.load %arg1[%get3A_855, %get3A_856] : memref<16x8xf32, #tpu.memory_space<smem>>
      %get3A_858 = arith.constant 2 : index
      %get3A_859 = arith.constant 0 : index
      %get3A_860 = arith.constant 0 : index
      %get3A_861 = vector.load %arg2[%get3A_858, %get3A_859, %get3A_860] : memref<8x128x128xf32, #tpu.memory_space<vmem>>, vector<1x128x128xf32>
      %get3A_862 = vector.shape_cast %get3A_861 : vector<1x128x128xf32> to vector<128x128xf32>
      %mul3A_863 = vector.broadcast %get3A_857 : f32 to vector<128x128xf32>
      %mul3A_864 = arith.mulf %mul3A_863, %get3A_862 : vector<128x128xf32>
      %add3A_865 = arith.addf %add3A_854, %mul3A_864 : vector<128x128xf32>
      %get3A_866 = arith.constant 9 : index
      %get3A_867 = arith.constant 3 : index
      %get3A_868 = memref.load %arg1[%get3A_866, %get3A_867] : memref<16x8xf32, #tpu.memory_space<smem>>
      %get3A_869 = arith.constant 3 : index
      %get3A_870 = arith.constant 0 : index
      %get3A_871 = arith.constant 0 : index
      %get3A_872 = vector.load %arg2[%get3A_869, %get3A_870, %get3A_871] : memref<8x128x128xf32, #tpu.memory_space<vmem>>, vector<1x128x128xf32>
      %get3A_873 = vector.shape_cast %get3A_872 : vector<1x128x128xf32> to vector<128x128xf32>
      %mul3A_874 = vector.broadcast %get3A_868 : f32 to vector<128x128xf32>
      %mul3A_875 = arith.mulf %mul3A_874, %get3A_873 : vector<128x128xf32>
      %add3A_876 = arith.addf %add3A_865, %mul3A_875 : vector<128x128xf32>
      %get3A_877 = arith.constant 9 : index
      %get3A_878 = arith.constant 4 : index
      %get3A_879 = memref.load %arg1[%get3A_877, %get3A_878] : memref<16x8xf32, #tpu.memory_space<smem>>
      %get3A_880 = arith.constant 4 : index
      %get3A_881 = arith.constant 0 : index
      %get3A_882 = arith.constant 0 : index
      %get3A_883 = vector.load %arg2[%get3A_880, %get3A_881, %get3A_882] : memref<8x128x128xf32, #tpu.memory_space<vmem>>, vector<1x128x128xf32>
      %get3A_884 = vector.shape_cast %get3A_883 : vector<1x128x128xf32> to vector<128x128xf32>
      %mul3A_885 = vector.broadcast %get3A_879 : f32 to vector<128x128xf32>
      %mul3A_886 = arith.mulf %mul3A_885, %get3A_884 : vector<128x128xf32>
      %add3A_887 = arith.addf %add3A_876, %mul3A_886 : vector<128x128xf32>
      %get3A_888 = arith.constant 9 : index
      %get3A_889 = arith.constant 5 : index
      %get3A_890 = memref.load %arg1[%get3A_888, %get3A_889] : memref<16x8xf32, #tpu.memory_space<smem>>
      %get3A_891 = arith.constant 5 : index
      %get3A_892 = arith.constant 0 : index
      %get3A_893 = arith.constant 0 : index
      %get3A_894 = vector.load %arg2[%get3A_891, %get3A_892, %get3A_893] : memref<8x128x128xf32, #tpu.memory_space<vmem>>, vector<1x128x128xf32>
      %get3A_895 = vector.shape_cast %get3A_894 : vector<1x128x128xf32> to vector<128x128xf32>
      %mul3A_896 = vector.broadcast %get3A_890 : f32 to vector<128x128xf32>
      %mul3A_897 = arith.mulf %mul3A_896, %get3A_895 : vector<128x128xf32>
      %add3A_898 = arith.addf %add3A_887, %mul3A_897 : vector<128x128xf32>
      %get3A_899 = arith.constant 9 : index
      %get3A_900 = arith.constant 6 : index
      %get3A_901 = memref.load %arg1[%get3A_899, %get3A_900] : memref<16x8xf32, #tpu.memory_space<smem>>
      %get3A_902 = arith.constant 6 : index
      %get3A_903 = arith.constant 0 : index
      %get3A_904 = arith.constant 0 : index
      %get3A_905 = vector.load %arg2[%get3A_902, %get3A_903, %get3A_904] : memref<8x128x128xf32, #tpu.memory_space<vmem>>, vector<1x128x128xf32>
      %get3A_906 = vector.shape_cast %get3A_905 : vector<1x128x128xf32> to vector<128x128xf32>
      %mul3A_907 = vector.broadcast %get3A_901 : f32 to vector<128x128xf32>
      %mul3A_908 = arith.mulf %mul3A_907, %get3A_906 : vector<128x128xf32>
      %add3A_909 = arith.addf %add3A_898, %mul3A_908 : vector<128x128xf32>
      %get3A_910 = arith.constant 9 : index
      %get3A_911 = arith.constant 7 : index
      %get3A_912 = memref.load %arg1[%get3A_910, %get3A_911] : memref<16x8xf32, #tpu.memory_space<smem>>
      %get3A_913 = arith.constant 7 : index
      %get3A_914 = arith.constant 0 : index
      %get3A_915 = arith.constant 0 : index
      %get3A_916 = vector.load %arg2[%get3A_913, %get3A_914, %get3A_915] : memref<8x128x128xf32, #tpu.memory_space<vmem>>, vector<1x128x128xf32>
      %get3A_917 = vector.shape_cast %get3A_916 : vector<1x128x128xf32> to vector<128x128xf32>
      %mul3A_918 = vector.broadcast %get3A_912 : f32 to vector<128x128xf32>
      %mul3A_919 = arith.mulf %mul3A_918, %get3A_917 : vector<128x128xf32>
      %add3A_920 = arith.addf %add3A_909, %mul3A_919 : vector<128x128xf32>
      %swap3A_921 = arith.constant 0 : index
      %swap3A_922 = arith.constant 1152 : index
      %swap3A_923 = vector.load %arg11[%swap3A_921, %swap3A_922] : memref<128x2048xf32, #tpu.memory_space<vmem>>, vector<128x128xf32>
      tpu.vector_store %arg11[%swap3A_921, %swap3A_922], %add3A_920 {strides = array<i32>} : memref<128x2048xf32, #tpu.memory_space<vmem>>, vector<128x128xf32>,
      %get3A_924 = arith.constant 10 : index
      %get3A_925 = arith.constant 0 : index
      %get3A_926 = memref.load %arg1[%get3A_924, %get3A_925] : memref<16x8xf32, #tpu.memory_space<smem>>
      %get3A_927 = arith.constant 0 : index
      %get3A_928 = arith.constant 0 : index
      %get3A_929 = arith.constant 0 : index
      %get3A_930 = vector.load %arg2[%get3A_927, %get3A_928, %get3A_929] : memref<8x128x128xf32, #tpu.memory_space<vmem>>, vector<1x128x128xf32>
      %get3A_931 = vector.shape_cast %get3A_930 : vector<1x128x128xf32> to vector<128x128xf32>
      %mul3A_932 = vector.broadcast %get3A_926 : f32 to vector<128x128xf32>
      %mul3A_933 = arith.mulf %mul3A_932, %get3A_931 : vector<128x128xf32>
      %get3A_934 = arith.constant 10 : index
      %get3A_935 = arith.constant 1 : index
      %get3A_936 = memref.load %arg1[%get3A_934, %get3A_935] : memref<16x8xf32, #tpu.memory_space<smem>>
      %get3A_937 = arith.constant 1 : index
      %get3A_938 = arith.constant 0 : index
      %get3A_939 = arith.constant 0 : index
      %get3A_940 = vector.load %arg2[%get3A_937, %get3A_938, %get3A_939] : memref<8x128x128xf32, #tpu.memory_space<vmem>>, vector<1x128x128xf32>
      %get3A_941 = vector.shape_cast %get3A_940 : vector<1x128x128xf32> to vector<128x128xf32>
      %mul3A_942 = vector.broadcast %get3A_936 : f32 to vector<128x128xf32>
      %mul3A_943 = arith.mulf %mul3A_942, %get3A_941 : vector<128x128xf32>
      %add3A_944 = arith.addf %mul3A_933, %mul3A_943 : vector<128x128xf32>
      %get3A_945 = arith.constant 10 : index
      %get3A_946 = arith.constant 2 : index
      %get3A_947 = memref.load %arg1[%get3A_945, %get3A_946] : memref<16x8xf32, #tpu.memory_space<smem>>
      %get3A_948 = arith.constant 2 : index
      %get3A_949 = arith.constant 0 : index
      %get3A_950 = arith.constant 0 : index
      %get3A_951 = vector.load %arg2[%get3A_948, %get3A_949, %get3A_950] : memref<8x128x128xf32, #tpu.memory_space<vmem>>, vector<1x128x128xf32>
      %get3A_952 = vector.shape_cast %get3A_951 : vector<1x128x128xf32> to vector<128x128xf32>
      %mul3A_953 = vector.broadcast %get3A_947 : f32 to vector<128x128xf32>
      %mul3A_954 = arith.mulf %mul3A_953, %get3A_952 : vector<128x128xf32>
      %add3A_955 = arith.addf %add3A_944, %mul3A_954 : vector<128x128xf32>
      %get3A_956 = arith.constant 10 : index
      %get3A_957 = arith.constant 3 : index
      %get3A_958 = memref.load %arg1[%get3A_956, %get3A_957] : memref<16x8xf32, #tpu.memory_space<smem>>
      %get3A_959 = arith.constant 3 : index
      %get3A_960 = arith.constant 0 : index
      %get3A_961 = arith.constant 0 : index
      %get3A_962 = vector.load %arg2[%get3A_959, %get3A_960, %get3A_961] : memref<8x128x128xf32, #tpu.memory_space<vmem>>, vector<1x128x128xf32>
      %get3A_963 = vector.shape_cast %get3A_962 : vector<1x128x128xf32> to vector<128x128xf32>
      %mul3A_964 = vector.broadcast %get3A_958 : f32 to vector<128x128xf32>
      %mul3A_965 = arith.mulf %mul3A_964, %get3A_963 : vector<128x128xf32>
      %add3A_966 = arith.addf %add3A_955, %mul3A_965 : vector<128x128xf32>
      %get3A_967 = arith.constant 10 : index
      %get3A_968 = arith.constant 4 : index
      %get3A_969 = memref.load %arg1[%get3A_967, %get3A_968] : memref<16x8xf32, #tpu.memory_space<smem>>
      %get3A_970 = arith.constant 4 : index
      %get3A_971 = arith.constant 0 : index
      %get3A_972 = arith.constant 0 : index
      %get3A_973 = vector.load %arg2[%get3A_970, %get3A_971, %get3A_972] : memref<8x128x128xf32, #tpu.memory_space<vmem>>, vector<1x128x128xf32>
      %get3A_974 = vector.shape_cast %get3A_973 : vector<1x128x128xf32> to vector<128x128xf32>
      %mul3A_975 = vector.broadcast %get3A_969 : f32 to vector<128x128xf32>
      %mul3A_976 = arith.mulf %mul3A_975, %get3A_974 : vector<128x128xf32>
      %add3A_977 = arith.addf %add3A_966, %mul3A_976 : vector<128x128xf32>
      %get3A_978 = arith.constant 10 : index
      %get3A_979 = arith.constant 5 : index
      %get3A_980 = memref.load %arg1[%get3A_978, %get3A_979] : memref<16x8xf32, #tpu.memory_space<smem>>
      %get3A_981 = arith.constant 5 : index
      %get3A_982 = arith.constant 0 : index
      %get3A_983 = arith.constant 0 : index
      %get3A_984 = vector.load %arg2[%get3A_981, %get3A_982, %get3A_983] : memref<8x128x128xf32, #tpu.memory_space<vmem>>, vector<1x128x128xf32>
      %get3A_985 = vector.shape_cast %get3A_984 : vector<1x128x128xf32> to vector<128x128xf32>
      %mul3A_986 = vector.broadcast %get3A_980 : f32 to vector<128x128xf32>
      %mul3A_987 = arith.mulf %mul3A_986, %get3A_985 : vector<128x128xf32>
      %add3A_988 = arith.addf %add3A_977, %mul3A_987 : vector<128x128xf32>
      %get3A_989 = arith.constant 10 : index
      %get3A_990 = arith.constant 6 : index
      %get3A_991 = memref.load %arg1[%get3A_989, %get3A_990] : memref<16x8xf32, #tpu.memory_space<smem>>
      %get3A_992 = arith.constant 6 : index
      %get3A_993 = arith.constant 0 : index
      %get3A_994 = arith.constant 0 : index
      %get3A_995 = vector.load %arg2[%get3A_992, %get3A_993, %get3A_994] : memref<8x128x128xf32, #tpu.memory_space<vmem>>, vector<1x128x128xf32>
      %get3A_996 = vector.shape_cast %get3A_995 : vector<1x128x128xf32> to vector<128x128xf32>
      %mul3A_997 = vector.broadcast %get3A_991 : f32 to vector<128x128xf32>
      %mul3A_998 = arith.mulf %mul3A_997, %get3A_996 : vector<128x128xf32>
      %add3A_999 = arith.addf %add3A_988, %mul3A_998 : vector<128x128xf32>
      %get3A_1000 = arith.constant 10 : index
      %get3A_1001 = arith.constant 7 : index
      %get3A_1002 = memref.load %arg1[%get3A_1000, %get3A_1001] : memref<16x8xf32, #tpu.memory_space<smem>>
      %get3A_1003 = arith.constant 7 : index
      %get3A_1004 = arith.constant 0 : index
      %get3A_1005 = arith.constant 0 : index
      %get3A_1006 = vector.load %arg2[%get3A_1003, %get3A_1004, %get3A_1005] : memref<8x128x128xf32, #tpu.memory_space<vmem>>, vector<1x128x128xf32>
      %get3A_1007 = vector.shape_cast %get3A_1006 : vector<1x128x128xf32> to vector<128x128xf32>
      %mul3A_1008 = vector.broadcast %get3A_1002 : f32 to vector<128x128xf32>
      %mul3A_1009 = arith.mulf %mul3A_1008, %get3A_1007 : vector<128x128xf32>
      %add3A_1010 = arith.addf %add3A_999, %mul3A_1009 : vector<128x128xf32>
      %swap3A_1011 = arith.constant 0 : index
      %swap3A_1012 = arith.constant 1280 : index
      %swap3A_1013 = vector.load %arg11[%swap3A_1011, %swap3A_1012] : memref<128x2048xf32, #tpu.memory_space<vmem>>, vector<128x128xf32>
      tpu.vector_store %arg11[%swap3A_1011, %swap3A_1012], %add3A_1010 {strides = array<i32>} : memref<128x2048xf32, #tpu.memory_space<vmem>>, vector<128x128xf32>,
      %get3A_1014 = arith.constant 11 : index
      %get3A_1015 = arith.constant 0 : index
      %get3A_1016 = memref.load %arg1[%get3A_1014, %get3A_1015] : memref<16x8xf32, #tpu.memory_space<smem>>
      %get3A_1017 = arith.constant 0 : index
      %get3A_1018 = arith.constant 0 : index
      %get3A_1019 = arith.constant 0 : index
      %get3A_1020 = vector.load %arg2[%get3A_1017, %get3A_1018, %get3A_1019] : memref<8x128x128xf32, #tpu.memory_space<vmem>>, vector<1x128x128xf32>
      %get3A_1021 = vector.shape_cast %get3A_1020 : vector<1x128x128xf32> to vector<128x128xf32>
      %mul3A_1022 = vector.broadcast %get3A_1016 : f32 to vector<128x128xf32>
      %mul3A_1023 = arith.mulf %mul3A_1022, %get3A_1021 : vector<128x128xf32>
      %get3A_1024 = arith.constant 11 : index
      %get3A_1025 = arith.constant 1 : index
      %get3A_1026 = memref.load %arg1[%get3A_1024, %get3A_1025] : memref<16x8xf32, #tpu.memory_space<smem>>
      %get3A_1027 = arith.constant 1 : index
      %get3A_1028 = arith.constant 0 : index
      %get3A_1029 = arith.constant 0 : index
      %get3A_1030 = vector.load %arg2[%get3A_1027, %get3A_1028, %get3A_1029] : memref<8x128x128xf32, #tpu.memory_space<vmem>>, vector<1x128x128xf32>
      %get3A_1031 = vector.shape_cast %get3A_1030 : vector<1x128x128xf32> to vector<128x128xf32>
      %mul3A_1032 = vector.broadcast %get3A_1026 : f32 to vector<128x128xf32>
      %mul3A_1033 = arith.mulf %mul3A_1032, %get3A_1031 : vector<128x128xf32>
      %add3A_1034 = arith.addf %mul3A_1023, %mul3A_1033 : vector<128x128xf32>
      %get3A_1035 = arith.constant 11 : index
      %get3A_1036 = arith.constant 2 : index
      %get3A_1037 = memref.load %arg1[%get3A_1035, %get3A_1036] : memref<16x8xf32, #tpu.memory_space<smem>>
      %get3A_1038 = arith.constant 2 : index
      %get3A_1039 = arith.constant 0 : index
      %get3A_1040 = arith.constant 0 : index
      %get3A_1041 = vector.load %arg2[%get3A_1038, %get3A_1039, %get3A_1040] : memref<8x128x128xf32, #tpu.memory_space<vmem>>, vector<1x128x128xf32>
      %get3A_1042 = vector.shape_cast %get3A_1041 : vector<1x128x128xf32> to vector<128x128xf32>
      %mul3A_1043 = vector.broadcast %get3A_1037 : f32 to vector<128x128xf32>
      %mul3A_1044 = arith.mulf %mul3A_1043, %get3A_1042 : vector<128x128xf32>
      %add3A_1045 = arith.addf %add3A_1034, %mul3A_1044 : vector<128x128xf32>
      %get3A_1046 = arith.constant 11 : index
      %get3A_1047 = arith.constant 3 : index
      %get3A_1048 = memref.load %arg1[%get3A_1046, %get3A_1047] : memref<16x8xf32, #tpu.memory_space<smem>>
      %get3A_1049 = arith.constant 3 : index
      %get3A_1050 = arith.constant 0 : index
      %get3A_1051 = arith.constant 0 : index
      %get3A_1052 = vector.load %arg2[%get3A_1049, %get3A_1050, %get3A_1051] : memref<8x128x128xf32, #tpu.memory_space<vmem>>, vector<1x128x128xf32>
      %get3A_1053 = vector.shape_cast %get3A_1052 : vector<1x128x128xf32> to vector<128x128xf32>
      %mul3A_1054 = vector.broadcast %get3A_1048 : f32 to vector<128x128xf32>
      %mul3A_1055 = arith.mulf %mul3A_1054, %get3A_1053 : vector<128x128xf32>
      %add3A_1056 = arith.addf %add3A_1045, %mul3A_1055 : vector<128x128xf32>
      %get3A_1057 = arith.constant 11 : index
      %get3A_1058 = arith.constant 4 : index
      %get3A_1059 = memref.load %arg1[%get3A_1057, %get3A_1058] : memref<16x8xf32, #tpu.memory_space<smem>>
      %get3A_1060 = arith.constant 4 : index
      %get3A_1061 = arith.constant 0 : index
      %get3A_1062 = arith.constant 0 : index
      %get3A_1063 = vector.load %arg2[%get3A_1060, %get3A_1061, %get3A_1062] : memref<8x128x128xf32, #tpu.memory_space<vmem>>, vector<1x128x128xf32>
      %get3A_1064 = vector.shape_cast %get3A_1063 : vector<1x128x128xf32> to vector<128x128xf32>
      %mul3A_1065 = vector.broadcast %get3A_1059 : f32 to vector<128x128xf32>
      %mul3A_1066 = arith.mulf %mul3A_1065, %get3A_1064 : vector<128x128xf32>
      %add3A_1067 = arith.addf %add3A_1056, %mul3A_1066 : vector<128x128xf32>
      %get3A_1068 = arith.constant 11 : index
      %get3A_1069 = arith.constant 5 : index
      %get3A_1070 = memref.load %arg1[%get3A_1068, %get3A_1069] : memref<16x8xf32, #tpu.memory_space<smem>>
      %get3A_1071 = arith.constant 5 : index
      %get3A_1072 = arith.constant 0 : index
      %get3A_1073 = arith.constant 0 : index
      %get3A_1074 = vector.load %arg2[%get3A_1071, %get3A_1072, %get3A_1073] : memref<8x128x128xf32, #tpu.memory_space<vmem>>, vector<1x128x128xf32>
      %get3A_1075 = vector.shape_cast %get3A_1074 : vector<1x128x128xf32> to vector<128x128xf32>
      %mul3A_1076 = vector.broadcast %get3A_1070 : f32 to vector<128x128xf32>
      %mul3A_1077 = arith.mulf %mul3A_1076, %get3A_1075 : vector<128x128xf32>
      %add3A_1078 = arith.addf %add3A_1067, %mul3A_1077 : vector<128x128xf32>
      %get3A_1079 = arith.constant 11 : index
      %get3A_1080 = arith.constant 6 : index
      %get3A_1081 = memref.load %arg1[%get3A_1079, %get3A_1080] : memref<16x8xf32, #tpu.memory_space<smem>>
      %get3A_1082 = arith.constant 6 : index
      %get3A_1083 = arith.constant 0 : index
      %get3A_1084 = arith.constant 0 : index
      %get3A_1085 = vector.load %arg2[%get3A_1082, %get3A_1083, %get3A_1084] : memref<8x128x128xf32, #tpu.memory_space<vmem>>, vector<1x128x128xf32>
      %get3A_1086 = vector.shape_cast %get3A_1085 : vector<1x128x128xf32> to vector<128x128xf32>
      %mul3A_1087 = vector.broadcast %get3A_1081 : f32 to vector<128x128xf32>
      %mul3A_1088 = arith.mulf %mul3A_1087, %get3A_1086 : vector<128x128xf32>
      %add3A_1089 = arith.addf %add3A_1078, %mul3A_1088 : vector<128x128xf32>
      %get3A_1090 = arith.constant 11 : index
      %get3A_1091 = arith.constant 7 : index
      %get3A_1092 = memref.load %arg1[%get3A_1090, %get3A_1091] : memref<16x8xf32, #tpu.memory_space<smem>>
      %get3A_1093 = arith.constant 7 : index
      %get3A_1094 = arith.constant 0 : index
      %get3A_1095 = arith.constant 0 : index
      %get3A_1096 = vector.load %arg2[%get3A_1093, %get3A_1094, %get3A_1095] : memref<8x128x128xf32, #tpu.memory_space<vmem>>, vector<1x128x128xf32>
      %get3A_1097 = vector.shape_cast %get3A_1096 : vector<1x128x128xf32> to vector<128x128xf32>
      %mul3A_1098 = vector.broadcast %get3A_1092 : f32 to vector<128x128xf32>
      %mul3A_1099 = arith.mulf %mul3A_1098, %get3A_1097 : vector<128x128xf32>
      %add3A_1100 = arith.addf %add3A_1089, %mul3A_1099 : vector<128x128xf32>
      %swap3A_1101 = arith.constant 0 : index
      %swap3A_1102 = arith.constant 1408 : index
      %swap3A_1103 = vector.load %arg11[%swap3A_1101, %swap3A_1102] : memref<128x2048xf32, #tpu.memory_space<vmem>>, vector<128x128xf32>
      tpu.vector_store %arg11[%swap3A_1101, %swap3A_1102], %add3A_1100 {strides = array<i32>} : memref<128x2048xf32, #tpu.memory_space<vmem>>, vector<128x128xf32>,
      %get3A_1104 = arith.constant 12 : index
      %get3A_1105 = arith.constant 0 : index
      %get3A_1106 = memref.load %arg1[%get3A_1104, %get3A_1105] : memref<16x8xf32, #tpu.memory_space<smem>>
      %get3A_1107 = arith.constant 0 : index
      %get3A_1108 = arith.constant 0 : index
      %get3A_1109 = arith.constant 0 : index
      %get3A_1110 = vector.load %arg2[%get3A_1107, %get3A_1108, %get3A_1109] : memref<8x128x128xf32, #tpu.memory_space<vmem>>, vector<1x128x128xf32>
      %get3A_1111 = vector.shape_cast %get3A_1110 : vector<1x128x128xf32> to vector<128x128xf32>
      %mul3A_1112 = vector.broadcast %get3A_1106 : f32 to vector<128x128xf32>
      %mul3A_1113 = arith.mulf %mul3A_1112, %get3A_1111 : vector<128x128xf32>
      %get3A_1114 = arith.constant 12 : index
      %get3A_1115 = arith.constant 1 : index
      %get3A_1116 = memref.load %arg1[%get3A_1114, %get3A_1115] : memref<16x8xf32, #tpu.memory_space<smem>>
      %get3A_1117 = arith.constant 1 : index
      %get3A_1118 = arith.constant 0 : index
      %get3A_1119 = arith.constant 0 : index
      %get3A_1120 = vector.load %arg2[%get3A_1117, %get3A_1118, %get3A_1119] : memref<8x128x128xf32, #tpu.memory_space<vmem>>, vector<1x128x128xf32>
      %get3A_1121 = vector.shape_cast %get3A_1120 : vector<1x128x128xf32> to vector<128x128xf32>
      %mul3A_1122 = vector.broadcast %get3A_1116 : f32 to vector<128x128xf32>
      %mul3A_1123 = arith.mulf %mul3A_1122, %get3A_1121 : vector<128x128xf32>
      %add3A_1124 = arith.addf %mul3A_1113, %mul3A_1123 : vector<128x128xf32>
      %get3A_1125 = arith.constant 12 : index
      %get3A_1126 = arith.constant 2 : index
      %get3A_1127 = memref.load %arg1[%get3A_1125, %get3A_1126] : memref<16x8xf32, #tpu.memory_space<smem>>
      %get3A_1128 = arith.constant 2 : index
      %get3A_1129 = arith.constant 0 : index
      %get3A_1130 = arith.constant 0 : index
      %get3A_1131 = vector.load %arg2[%get3A_1128, %get3A_1129, %get3A_1130] : memref<8x128x128xf32, #tpu.memory_space<vmem>>, vector<1x128x128xf32>
      %get3A_1132 = vector.shape_cast %get3A_1131 : vector<1x128x128xf32> to vector<128x128xf32>
      %mul3A_1133 = vector.broadcast %get3A_1127 : f32 to vector<128x128xf32>
      %mul3A_1134 = arith.mulf %mul3A_1133, %get3A_1132 : vector<128x128xf32>
      %add3A_1135 = arith.addf %add3A_1124, %mul3A_1134 : vector<128x128xf32>
      %get3A_1136 = arith.constant 12 : index
      %get3A_1137 = arith.constant 3 : index
      %get3A_1138 = memref.load %arg1[%get3A_1136, %get3A_1137] : memref<16x8xf32, #tpu.memory_space<smem>>
      %get3A_1139 = arith.constant 3 : index
      %get3A_1140 = arith.constant 0 : index
      %get3A_1141 = arith.constant 0 : index
      %get3A_1142 = vector.load %arg2[%get3A_1139, %get3A_1140, %get3A_1141] : memref<8x128x128xf32, #tpu.memory_space<vmem>>, vector<1x128x128xf32>
      %get3A_1143 = vector.shape_cast %get3A_1142 : vector<1x128x128xf32> to vector<128x128xf32>
      %mul3A_1144 = vector.broadcast %get3A_1138 : f32 to vector<128x128xf32>
      %mul3A_1145 = arith.mulf %mul3A_1144, %get3A_1143 : vector<128x128xf32>
      %add3A_1146 = arith.addf %add3A_1135, %mul3A_1145 : vector<128x128xf32>
      %get3A_1147 = arith.constant 12 : index
      %get3A_1148 = arith.constant 4 : index
      %get3A_1149 = memref.load %arg1[%get3A_1147, %get3A_1148] : memref<16x8xf32, #tpu.memory_space<smem>>
      %get3A_1150 = arith.constant 4 : index
      %get3A_1151 = arith.constant 0 : index
      %get3A_1152 = arith.constant 0 : index
      %get3A_1153 = vector.load %arg2[%get3A_1150, %get3A_1151, %get3A_1152] : memref<8x128x128xf32, #tpu.memory_space<vmem>>, vector<1x128x128xf32>
      %get3A_1154 = vector.shape_cast %get3A_1153 : vector<1x128x128xf32> to vector<128x128xf32>
      %mul3A_1155 = vector.broadcast %get3A_1149 : f32 to vector<128x128xf32>
      %mul3A_1156 = arith.mulf %mul3A_1155, %get3A_1154 : vector<128x128xf32>
      %add3A_1157 = arith.addf %add3A_1146, %mul3A_1156 : vector<128x128xf32>
      %get3A_1158 = arith.constant 12 : index
      %get3A_1159 = arith.constant 5 : index
      %get3A_1160 = memref.load %arg1[%get3A_1158, %get3A_1159] : memref<16x8xf32, #tpu.memory_space<smem>>
      %get3A_1161 = arith.constant 5 : index
      %get3A_1162 = arith.constant 0 : index
      %get3A_1163 = arith.constant 0 : index
      %get3A_1164 = vector.load %arg2[%get3A_1161, %get3A_1162, %get3A_1163] : memref<8x128x128xf32, #tpu.memory_space<vmem>>, vector<1x128x128xf32>
      %get3A_1165 = vector.shape_cast %get3A_1164 : vector<1x128x128xf32> to vector<128x128xf32>
      %mul3A_1166 = vector.broadcast %get3A_1160 : f32 to vector<128x128xf32>
      %mul3A_1167 = arith.mulf %mul3A_1166, %get3A_1165 : vector<128x128xf32>
      %add3A_1168 = arith.addf %add3A_1157, %mul3A_1167 : vector<128x128xf32>
      %get3A_1169 = arith.constant 12 : index
      %get3A_1170 = arith.constant 6 : index
      %get3A_1171 = memref.load %arg1[%get3A_1169, %get3A_1170] : memref<16x8xf32, #tpu.memory_space<smem>>
      %get3A_1172 = arith.constant 6 : index
      %get3A_1173 = arith.constant 0 : index
      %get3A_1174 = arith.constant 0 : index
      %get3A_1175 = vector.load %arg2[%get3A_1172, %get3A_1173, %get3A_1174] : memref<8x128x128xf32, #tpu.memory_space<vmem>>, vector<1x128x128xf32>
      %get3A_1176 = vector.shape_cast %get3A_1175 : vector<1x128x128xf32> to vector<128x128xf32>
      %mul3A_1177 = vector.broadcast %get3A_1171 : f32 to vector<128x128xf32>
      %mul3A_1178 = arith.mulf %mul3A_1177, %get3A_1176 : vector<128x128xf32>
      %add3A_1179 = arith.addf %add3A_1168, %mul3A_1178 : vector<128x128xf32>
      %get3A_1180 = arith.constant 12 : index
      %get3A_1181 = arith.constant 7 : index
      %get3A_1182 = memref.load %arg1[%get3A_1180, %get3A_1181] : memref<16x8xf32, #tpu.memory_space<smem>>
      %get3A_1183 = arith.constant 7 : index
      %get3A_1184 = arith.constant 0 : index
      %get3A_1185 = arith.constant 0 : index
      %get3A_1186 = vector.load %arg2[%get3A_1183, %get3A_1184, %get3A_1185] : memref<8x128x128xf32, #tpu.memory_space<vmem>>, vector<1x128x128xf32>
      %get3A_1187 = vector.shape_cast %get3A_1186 : vector<1x128x128xf32> to vector<128x128xf32>
      %mul3A_1188 = vector.broadcast %get3A_1182 : f32 to vector<128x128xf32>
      %mul3A_1189 = arith.mulf %mul3A_1188, %get3A_1187 : vector<128x128xf32>
      %add3A_1190 = arith.addf %add3A_1179, %mul3A_1189 : vector<128x128xf32>
      %swap3A_1191 = arith.constant 0 : index
      %swap3A_1192 = arith.constant 1536 : index
      %swap3A_1193 = vector.load %arg11[%swap3A_1191, %swap3A_1192] : memref<128x2048xf32, #tpu.memory_space<vmem>>, vector<128x128xf32>
      tpu.vector_store %arg11[%swap3A_1191, %swap3A_1192], %add3A_1190 {strides = array<i32>} : memref<128x2048xf32, #tpu.memory_space<vmem>>, vector<128x128xf32>,
      %get3A_1194 = arith.constant 13 : index
      %get3A_1195 = arith.constant 0 : index
      %get3A_1196 = memref.load %arg1[%get3A_1194, %get3A_1195] : memref<16x8xf32, #tpu.memory_space<smem>>
      %get3A_1197 = arith.constant 0 : index
      %get3A_1198 = arith.constant 0 : index
      %get3A_1199 = arith.constant 0 : index
      %get3A_1200 = vector.load %arg2[%get3A_1197, %get3A_1198, %get3A_1199] : memref<8x128x128xf32, #tpu.memory_space<vmem>>, vector<1x128x128xf32>
      %get3A_1201 = vector.shape_cast %get3A_1200 : vector<1x128x128xf32> to vector<128x128xf32>
      %mul3A_1202 = vector.broadcast %get3A_1196 : f32 to vector<128x128xf32>
      %mul3A_1203 = arith.mulf %mul3A_1202, %get3A_1201 : vector<128x128xf32>
      %get3A_1204 = arith.constant 13 : index
      %get3A_1205 = arith.constant 1 : index
      %get3A_1206 = memref.load %arg1[%get3A_1204, %get3A_1205] : memref<16x8xf32, #tpu.memory_space<smem>>
      %get3A_1207 = arith.constant 1 : index
      %get3A_1208 = arith.constant 0 : index
      %get3A_1209 = arith.constant 0 : index
      %get3A_1210 = vector.load %arg2[%get3A_1207, %get3A_1208, %get3A_1209] : memref<8x128x128xf32, #tpu.memory_space<vmem>>, vector<1x128x128xf32>
      %get3A_1211 = vector.shape_cast %get3A_1210 : vector<1x128x128xf32> to vector<128x128xf32>
      %mul3A_1212 = vector.broadcast %get3A_1206 : f32 to vector<128x128xf32>
      %mul3A_1213 = arith.mulf %mul3A_1212, %get3A_1211 : vector<128x128xf32>
      %add3A_1214 = arith.addf %mul3A_1203, %mul3A_1213 : vector<128x128xf32>
      %get3A_1215 = arith.constant 13 : index
      %get3A_1216 = arith.constant 2 : index
      %get3A_1217 = memref.load %arg1[%get3A_1215, %get3A_1216] : memref<16x8xf32, #tpu.memory_space<smem>>
      %get3A_1218 = arith.constant 2 : index
      %get3A_1219 = arith.constant 0 : index
      %get3A_1220 = arith.constant 0 : index
      %get3A_1221 = vector.load %arg2[%get3A_1218, %get3A_1219, %get3A_1220] : memref<8x128x128xf32, #tpu.memory_space<vmem>>, vector<1x128x128xf32>
      %get3A_1222 = vector.shape_cast %get3A_1221 : vector<1x128x128xf32> to vector<128x128xf32>
      %mul3A_1223 = vector.broadcast %get3A_1217 : f32 to vector<128x128xf32>
      %mul3A_1224 = arith.mulf %mul3A_1223, %get3A_1222 : vector<128x128xf32>
      %add3A_1225 = arith.addf %add3A_1214, %mul3A_1224 : vector<128x128xf32>
      %get3A_1226 = arith.constant 13 : index
      %get3A_1227 = arith.constant 3 : index
      %get3A_1228 = memref.load %arg1[%get3A_1226, %get3A_1227] : memref<16x8xf32, #tpu.memory_space<smem>>
      %get3A_1229 = arith.constant 3 : index
      %get3A_1230 = arith.constant 0 : index
      %get3A_1231 = arith.constant 0 : index
      %get3A_1232 = vector.load %arg2[%get3A_1229, %get3A_1230, %get3A_1231] : memref<8x128x128xf32, #tpu.memory_space<vmem>>, vector<1x128x128xf32>
      %get3A_1233 = vector.shape_cast %get3A_1232 : vector<1x128x128xf32> to vector<128x128xf32>
      %mul3A_1234 = vector.broadcast %get3A_1228 : f32 to vector<128x128xf32>
      %mul3A_1235 = arith.mulf %mul3A_1234, %get3A_1233 : vector<128x128xf32>
      %add3A_1236 = arith.addf %add3A_1225, %mul3A_1235 : vector<128x128xf32>
      %get3A_1237 = arith.constant 13 : index
      %get3A_1238 = arith.constant 4 : index
      %get3A_1239 = memref.load %arg1[%get3A_1237, %get3A_1238] : memref<16x8xf32, #tpu.memory_space<smem>>
      %get3A_1240 = arith.constant 4 : index
      %get3A_1241 = arith.constant 0 : index
      %get3A_1242 = arith.constant 0 : index
      %get3A_1243 = vector.load %arg2[%get3A_1240, %get3A_1241, %get3A_1242] : memref<8x128x128xf32, #tpu.memory_space<vmem>>, vector<1x128x128xf32>
      %get3A_1244 = vector.shape_cast %get3A_1243 : vector<1x128x128xf32> to vector<128x128xf32>
      %mul3A_1245 = vector.broadcast %get3A_1239 : f32 to vector<128x128xf32>
      %mul3A_1246 = arith.mulf %mul3A_1245, %get3A_1244 : vector<128x128xf32>
      %add3A_1247 = arith.addf %add3A_1236, %mul3A_1246 : vector<128x128xf32>
      %get3A_1248 = arith.constant 13 : index
      %get3A_1249 = arith.constant 5 : index
      %get3A_1250 = memref.load %arg1[%get3A_1248, %get3A_1249] : memref<16x8xf32, #tpu.memory_space<smem>>
      %get3A_1251 = arith.constant 5 : index
      %get3A_1252 = arith.constant 0 : index
      %get3A_1253 = arith.constant 0 : index
      %get3A_1254 = vector.load %arg2[%get3A_1251, %get3A_1252, %get3A_1253] : memref<8x128x128xf32, #tpu.memory_space<vmem>>, vector<1x128x128xf32>
      %get3A_1255 = vector.shape_cast %get3A_1254 : vector<1x128x128xf32> to vector<128x128xf32>
      %mul3A_1256 = vector.broadcast %get3A_1250 : f32 to vector<128x128xf32>
      %mul3A_1257 = arith.mulf %mul3A_1256, %get3A_1255 : vector<128x128xf32>
      %add3A_1258 = arith.addf %add3A_1247, %mul3A_1257 : vector<128x128xf32>
      %get3A_1259 = arith.constant 13 : index
      %get3A_1260 = arith.constant 6 : index
      %get3A_1261 = memref.load %arg1[%get3A_1259, %get3A_1260] : memref<16x8xf32, #tpu.memory_space<smem>>
      %get3A_1262 = arith.constant 6 : index
      %get3A_1263 = arith.constant 0 : index
      %get3A_1264 = arith.constant 0 : index
      %get3A_1265 = vector.load %arg2[%get3A_1262, %get3A_1263, %get3A_1264] : memref<8x128x128xf32, #tpu.memory_space<vmem>>, vector<1x128x128xf32>
      %get3A_1266 = vector.shape_cast %get3A_1265 : vector<1x128x128xf32> to vector<128x128xf32>
      %mul3A_1267 = vector.broadcast %get3A_1261 : f32 to vector<128x128xf32>
      %mul3A_1268 = arith.mulf %mul3A_1267, %get3A_1266 : vector<128x128xf32>
      %add3A_1269 = arith.addf %add3A_1258, %mul3A_1268 : vector<128x128xf32>
      %get3A_1270 = arith.constant 13 : index
      %get3A_1271 = arith.constant 7 : index
      %get3A_1272 = memref.load %arg1[%get3A_1270, %get3A_1271] : memref<16x8xf32, #tpu.memory_space<smem>>
      %get3A_1273 = arith.constant 7 : index
      %get3A_1274 = arith.constant 0 : index
      %get3A_1275 = arith.constant 0 : index
      %get3A_1276 = vector.load %arg2[%get3A_1273, %get3A_1274, %get3A_1275] : memref<8x128x128xf32, #tpu.memory_space<vmem>>, vector<1x128x128xf32>
      %get3A_1277 = vector.shape_cast %get3A_1276 : vector<1x128x128xf32> to vector<128x128xf32>
      %mul3A_1278 = vector.broadcast %get3A_1272 : f32 to vector<128x128xf32>
      %mul3A_1279 = arith.mulf %mul3A_1278, %get3A_1277 : vector<128x128xf32>
      %add3A_1280 = arith.addf %add3A_1269, %mul3A_1279 : vector<128x128xf32>
      %swap3A_1281 = arith.constant 0 : index
      %swap3A_1282 = arith.constant 1664 : index
      %swap3A_1283 = vector.load %arg11[%swap3A_1281, %swap3A_1282] : memref<128x2048xf32, #tpu.memory_space<vmem>>, vector<128x128xf32>
      tpu.vector_store %arg11[%swap3A_1281, %swap3A_1282], %add3A_1280 {strides = array<i32>} : memref<128x2048xf32, #tpu.memory_space<vmem>>, vector<128x128xf32>,
      %get3A_1284 = arith.constant 14 : index
      %get3A_1285 = arith.constant 0 : index
      %get3A_1286 = memref.load %arg1[%get3A_1284, %get3A_1285] : memref<16x8xf32, #tpu.memory_space<smem>>
      %get3A_1287 = arith.constant 0 : index
      %get3A_1288 = arith.constant 0 : index
      %get3A_1289 = arith.constant 0 : index
      %get3A_1290 = vector.load %arg2[%get3A_1287, %get3A_1288, %get3A_1289] : memref<8x128x128xf32, #tpu.memory_space<vmem>>, vector<1x128x128xf32>
      %get3A_1291 = vector.shape_cast %get3A_1290 : vector<1x128x128xf32> to vector<128x128xf32>
      %mul3A_1292 = vector.broadcast %get3A_1286 : f32 to vector<128x128xf32>
      %mul3A_1293 = arith.mulf %mul3A_1292, %get3A_1291 : vector<128x128xf32>
      %get3A_1294 = arith.constant 14 : index
      %get3A_1295 = arith.constant 1 : index
      %get3A_1296 = memref.load %arg1[%get3A_1294, %get3A_1295] : memref<16x8xf32, #tpu.memory_space<smem>>
      %get3A_1297 = arith.constant 1 : index
      %get3A_1298 = arith.constant 0 : index
      %get3A_1299 = arith.constant 0 : index
      %get3A_1300 = vector.load %arg2[%get3A_1297, %get3A_1298, %get3A_1299] : memref<8x128x128xf32, #tpu.memory_space<vmem>>, vector<1x128x128xf32>
      %get3A_1301 = vector.shape_cast %get3A_1300 : vector<1x128x128xf32> to vector<128x128xf32>
      %mul3A_1302 = vector.broadcast %get3A_1296 : f32 to vector<128x128xf32>
      %mul3A_1303 = arith.mulf %mul3A_1302, %get3A_1301 : vector<128x128xf32>
      %add3A_1304 = arith.addf %mul3A_1293, %mul3A_1303 : vector<128x128xf32>
      %get3A_1305 = arith.constant 14 : index
      %get3A_1306 = arith.constant 2 : index
      %get3A_1307 = memref.load %arg1[%get3A_1305, %get3A_1306] : memref<16x8xf32, #tpu.memory_space<smem>>
      %get3A_1308 = arith.constant 2 : index
      %get3A_1309 = arith.constant 0 : index
      %get3A_1310 = arith.constant 0 : index
      %get3A_1311 = vector.load %arg2[%get3A_1308, %get3A_1309, %get3A_1310] : memref<8x128x128xf32, #tpu.memory_space<vmem>>, vector<1x128x128xf32>
      %get3A_1312 = vector.shape_cast %get3A_1311 : vector<1x128x128xf32> to vector<128x128xf32>
      %mul3A_1313 = vector.broadcast %get3A_1307 : f32 to vector<128x128xf32>
      %mul3A_1314 = arith.mulf %mul3A_1313, %get3A_1312 : vector<128x128xf32>
      %add3A_1315 = arith.addf %add3A_1304, %mul3A_1314 : vector<128x128xf32>
      %get3A_1316 = arith.constant 14 : index
      %get3A_1317 = arith.constant 3 : index
      %get3A_1318 = memref.load %arg1[%get3A_1316, %get3A_1317] : memref<16x8xf32, #tpu.memory_space<smem>>
      %get3A_1319 = arith.constant 3 : index
      %get3A_1320 = arith.constant 0 : index
      %get3A_1321 = arith.constant 0 : index
      %get3A_1322 = vector.load %arg2[%get3A_1319, %get3A_1320, %get3A_1321] : memref<8x128x128xf32, #tpu.memory_space<vmem>>, vector<1x128x128xf32>
      %get3A_1323 = vector.shape_cast %get3A_1322 : vector<1x128x128xf32> to vector<128x128xf32>
      %mul3A_1324 = vector.broadcast %get3A_1318 : f32 to vector<128x128xf32>
      %mul3A_1325 = arith.mulf %mul3A_1324, %get3A_1323 : vector<128x128xf32>
      %add3A_1326 = arith.addf %add3A_1315, %mul3A_1325 : vector<128x128xf32>
      %get3A_1327 = arith.constant 14 : index
      %get3A_1328 = arith.constant 4 : index
      %get3A_1329 = memref.load %arg1[%get3A_1327, %get3A_1328] : memref<16x8xf32, #tpu.memory_space<smem>>
      %get3A_1330 = arith.constant 4 : index
      %get3A_1331 = arith.constant 0 : index
      %get3A_1332 = arith.constant 0 : index
      %get3A_1333 = vector.load %arg2[%get3A_1330, %get3A_1331, %get3A_1332] : memref<8x128x128xf32, #tpu.memory_space<vmem>>, vector<1x128x128xf32>
      %get3A_1334 = vector.shape_cast %get3A_1333 : vector<1x128x128xf32> to vector<128x128xf32>
      %mul3A_1335 = vector.broadcast %get3A_1329 : f32 to vector<128x128xf32>
      %mul3A_1336 = arith.mulf %mul3A_1335, %get3A_1334 : vector<128x128xf32>
      %add3A_1337 = arith.addf %add3A_1326, %mul3A_1336 : vector<128x128xf32>
      %get3A_1338 = arith.constant 14 : index
      %get3A_1339 = arith.constant 5 : index
      %get3A_1340 = memref.load %arg1[%get3A_1338, %get3A_1339] : memref<16x8xf32, #tpu.memory_space<smem>>
      %get3A_1341 = arith.constant 5 : index
      %get3A_1342 = arith.constant 0 : index
      %get3A_1343 = arith.constant 0 : index
      %get3A_1344 = vector.load %arg2[%get3A_1341, %get3A_1342, %get3A_1343] : memref<8x128x128xf32, #tpu.memory_space<vmem>>, vector<1x128x128xf32>
      %get3A_1345 = vector.shape_cast %get3A_1344 : vector<1x128x128xf32> to vector<128x128xf32>
      %mul3A_1346 = vector.broadcast %get3A_1340 : f32 to vector<128x128xf32>
      %mul3A_1347 = arith.mulf %mul3A_1346, %get3A_1345 : vector<128x128xf32>
      %add3A_1348 = arith.addf %add3A_1337, %mul3A_1347 : vector<128x128xf32>
      %get3A_1349 = arith.constant 14 : index
      %get3A_1350 = arith.constant 6 : index
      %get3A_1351 = memref.load %arg1[%get3A_1349, %get3A_1350] : memref<16x8xf32, #tpu.memory_space<smem>>
      %get3A_1352 = arith.constant 6 : index
      %get3A_1353 = arith.constant 0 : index
      %get3A_1354 = arith.constant 0 : index
      %get3A_1355 = vector.load %arg2[%get3A_1352, %get3A_1353, %get3A_1354] : memref<8x128x128xf32, #tpu.memory_space<vmem>>, vector<1x128x128xf32>
      %get3A_1356 = vector.shape_cast %get3A_1355 : vector<1x128x128xf32> to vector<128x128xf32>
      %mul3A_1357 = vector.broadcast %get3A_1351 : f32 to vector<128x128xf32>
      %mul3A_1358 = arith.mulf %mul3A_1357, %get3A_1356 : vector<128x128xf32>
      %add3A_1359 = arith.addf %add3A_1348, %mul3A_1358 : vector<128x128xf32>
      %get3A_1360 = arith.constant 14 : index
      %get3A_1361 = arith.constant 7 : index
      %get3A_1362 = memref.load %arg1[%get3A_1360, %get3A_1361] : memref<16x8xf32, #tpu.memory_space<smem>>
      %get3A_1363 = arith.constant 7 : index
      %get3A_1364 = arith.constant 0 : index
      %get3A_1365 = arith.constant 0 : index
      %get3A_1366 = vector.load %arg2[%get3A_1363, %get3A_1364, %get3A_1365] : memref<8x128x128xf32, #tpu.memory_space<vmem>>, vector<1x128x128xf32>
      %get3A_1367 = vector.shape_cast %get3A_1366 : vector<1x128x128xf32> to vector<128x128xf32>
      %mul3A_1368 = vector.broadcast %get3A_1362 : f32 to vector<128x128xf32>
      %mul3A_1369 = arith.mulf %mul3A_1368, %get3A_1367 : vector<128x128xf32>
      %add3A_1370 = arith.addf %add3A_1359, %mul3A_1369 : vector<128x128xf32>
      %swap3A_1371 = arith.constant 0 : index
      %swap3A_1372 = arith.constant 1792 : index
      %swap3A_1373 = vector.load %arg11[%swap3A_1371, %swap3A_1372] : memref<128x2048xf32, #tpu.memory_space<vmem>>, vector<128x128xf32>
      tpu.vector_store %arg11[%swap3A_1371, %swap3A_1372], %add3A_1370 {strides = array<i32>} : memref<128x2048xf32, #tpu.memory_space<vmem>>, vector<128x128xf32>,
      %get3A_1374 = arith.constant 15 : index
      %get3A_1375 = arith.constant 0 : index
      %get3A_1376 = memref.load %arg1[%get3A_1374, %get3A_1375] : memref<16x8xf32, #tpu.memory_space<smem>>
      %get3A_1377 = arith.constant 0 : index
      %get3A_1378 = arith.constant 0 : index
      %get3A_1379 = arith.constant 0 : index
      %get3A_1380 = vector.load %arg2[%get3A_1377, %get3A_1378, %get3A_1379] : memref<8x128x128xf32, #tpu.memory_space<vmem>>, vector<1x128x128xf32>
      %get3A_1381 = vector.shape_cast %get3A_1380 : vector<1x128x128xf32> to vector<128x128xf32>
      %mul3A_1382 = vector.broadcast %get3A_1376 : f32 to vector<128x128xf32>
      %mul3A_1383 = arith.mulf %mul3A_1382, %get3A_1381 : vector<128x128xf32>
      %get3A_1384 = arith.constant 15 : index
      %get3A_1385 = arith.constant 1 : index
      %get3A_1386 = memref.load %arg1[%get3A_1384, %get3A_1385] : memref<16x8xf32, #tpu.memory_space<smem>>
      %get3A_1387 = arith.constant 1 : index
      %get3A_1388 = arith.constant 0 : index
      %get3A_1389 = arith.constant 0 : index
      %get3A_1390 = vector.load %arg2[%get3A_1387, %get3A_1388, %get3A_1389] : memref<8x128x128xf32, #tpu.memory_space<vmem>>, vector<1x128x128xf32>
      %get3A_1391 = vector.shape_cast %get3A_1390 : vector<1x128x128xf32> to vector<128x128xf32>
      %mul3A_1392 = vector.broadcast %get3A_1386 : f32 to vector<128x128xf32>
      %mul3A_1393 = arith.mulf %mul3A_1392, %get3A_1391 : vector<128x128xf32>
      %add3A_1394 = arith.addf %mul3A_1383, %mul3A_1393 : vector<128x128xf32>
      %get3A_1395 = arith.constant 15 : index
      %get3A_1396 = arith.constant 2 : index
      %get3A_1397 = memref.load %arg1[%get3A_1395, %get3A_1396] : memref<16x8xf32, #tpu.memory_space<smem>>
      %get3A_1398 = arith.constant 2 : index
      %get3A_1399 = arith.constant 0 : index
      %get3A_1400 = arith.constant 0 : index
      %get3A_1401 = vector.load %arg2[%get3A_1398, %get3A_1399, %get3A_1400] : memref<8x128x128xf32, #tpu.memory_space<vmem>>, vector<1x128x128xf32>
      %get3A_1402 = vector.shape_cast %get3A_1401 : vector<1x128x128xf32> to vector<128x128xf32>
      %mul3A_1403 = vector.broadcast %get3A_1397 : f32 to vector<128x128xf32>
      %mul3A_1404 = arith.mulf %mul3A_1403, %get3A_1402 : vector<128x128xf32>
      %add3A_1405 = arith.addf %add3A_1394, %mul3A_1404 : vector<128x128xf32>
      %get3A_1406 = arith.constant 15 : index
      %get3A_1407 = arith.constant 3 : index
      %get3A_1408 = memref.load %arg1[%get3A_1406, %get3A_1407] : memref<16x8xf32, #tpu.memory_space<smem>>
      %get3A_1409 = arith.constant 3 : index
      %get3A_1410 = arith.constant 0 : index
      %get3A_1411 = arith.constant 0 : index
      %get3A_1412 = vector.load %arg2[%get3A_1409, %get3A_1410, %get3A_1411] : memref<8x128x128xf32, #tpu.memory_space<vmem>>, vector<1x128x128xf32>
      %get3A_1413 = vector.shape_cast %get3A_1412 : vector<1x128x128xf32> to vector<128x128xf32>
      %mul3A_1414 = vector.broadcast %get3A_1408 : f32 to vector<128x128xf32>
      %mul3A_1415 = arith.mulf %mul3A_1414, %get3A_1413 : vector<128x128xf32>
      %add3A_1416 = arith.addf %add3A_1405, %mul3A_1415 : vector<128x128xf32>
      %get3A_1417 = arith.constant 15 : index
      %get3A_1418 = arith.constant 4 : index
      %get3A_1419 = memref.load %arg1[%get3A_1417, %get3A_1418] : memref<16x8xf32, #tpu.memory_space<smem>>
      %get3A_1420 = arith.constant 4 : index
      %get3A_1421 = arith.constant 0 : index
      %get3A_1422 = arith.constant 0 : index
      %get3A_1423 = vector.load %arg2[%get3A_1420, %get3A_1421, %get3A_1422] : memref<8x128x128xf32, #tpu.memory_space<vmem>>, vector<1x128x128xf32>
      %get3A_1424 = vector.shape_cast %get3A_1423 : vector<1x128x128xf32> to vector<128x128xf32>
      %mul3A_1425 = vector.broadcast %get3A_1419 : f32 to vector<128x128xf32>
      %mul3A_1426 = arith.mulf %mul3A_1425, %get3A_1424 : vector<128x128xf32>
      %add3A_1427 = arith.addf %add3A_1416, %mul3A_1426 : vector<128x128xf32>
      %get3A_1428 = arith.constant 15 : index
      %get3A_1429 = arith.constant 5 : index
      %get3A_1430 = memref.load %arg1[%get3A_1428, %get3A_1429] : memref<16x8xf32, #tpu.memory_space<smem>>
      %get3A_1431 = arith.constant 5 : index
      %get3A_1432 = arith.constant 0 : index
      %get3A_1433 = arith.constant 0 : index
      %get3A_1434 = vector.load %arg2[%get3A_1431, %get3A_1432, %get3A_1433] : memref<8x128x128xf32, #tpu.memory_space<vmem>>, vector<1x128x128xf32>
      %get3A_1435 = vector.shape_cast %get3A_1434 : vector<1x128x128xf32> to vector<128x128xf32>
      %mul3A_1436 = vector.broadcast %get3A_1430 : f32 to vector<128x128xf32>
      %mul3A_1437 = arith.mulf %mul3A_1436, %get3A_1435 : vector<128x128xf32>
      %add3A_1438 = arith.addf %add3A_1427, %mul3A_1437 : vector<128x128xf32>
      %get3A_1439 = arith.constant 15 : index
      %get3A_1440 = arith.constant 6 : index
      %get3A_1441 = memref.load %arg1[%get3A_1439, %get3A_1440] : memref<16x8xf32, #tpu.memory_space<smem>>
      %get3A_1442 = arith.constant 6 : index
      %get3A_1443 = arith.constant 0 : index
      %get3A_1444 = arith.constant 0 : index
      %get3A_1445 = vector.load %arg2[%get3A_1442, %get3A_1443, %get3A_1444] : memref<8x128x128xf32, #tpu.memory_space<vmem>>, vector<1x128x128xf32>
      %get3A_1446 = vector.shape_cast %get3A_1445 : vector<1x128x128xf32> to vector<128x128xf32>
      %mul3A_1447 = vector.broadcast %get3A_1441 : f32 to vector<128x128xf32>
      %mul3A_1448 = arith.mulf %mul3A_1447, %get3A_1446 : vector<128x128xf32>
      %add3A_1449 = arith.addf %add3A_1438, %mul3A_1448 : vector<128x128xf32>
      %get3A_1450 = arith.constant 15 : index
      %get3A_1451 = arith.constant 7 : index
      %get3A_1452 = memref.load %arg1[%get3A_1450, %get3A_1451] : memref<16x8xf32, #tpu.memory_space<smem>>
      %get3A_1453 = arith.constant 7 : index
      %get3A_1454 = arith.constant 0 : index
      %get3A_1455 = arith.constant 0 : index
      %get3A_1456 = vector.load %arg2[%get3A_1453, %get3A_1454, %get3A_1455] : memref<8x128x128xf32, #tpu.memory_space<vmem>>, vector<1x128x128xf32>
      %get3A_1457 = vector.shape_cast %get3A_1456 : vector<1x128x128xf32> to vector<128x128xf32>
      %mul3A_1458 = vector.broadcast %get3A_1452 : f32 to vector<128x128xf32>
      %mul3A_1459 = arith.mulf %mul3A_1458, %get3A_1457 : vector<128x128xf32>
      %add3A_1460 = arith.addf %add3A_1449, %mul3A_1459 : vector<128x128xf32>
      %swap3A_1461 = arith.constant 0 : index
      %swap3A_1462 = arith.constant 1920 : index
      %swap3A_1463 = vector.load %arg11[%swap3A_1461, %swap3A_1462] : memref<128x2048xf32, #tpu.memory_space<vmem>>, vector<128x128xf32>
      tpu.vector_store %arg11[%swap3A_1461, %swap3A_1462], %add3A_1460 {strides = array<i32>} : memref<128x2048xf32, #tpu.memory_space<vmem>>, vector<128x128xf32>,
      %get3A_1464 = arith.constant 0 : index
      %get3A_1465 = arith.constant 0 : index
      %get3A_1466 = arith.constant 0 : index
      %get3A_1467 = vector.load %arg5[%get3A_1464, %get3A_1465, %get3A_1466] : memref<2x2500x128xi32, #tpu.memory_space<vmem>>, vector<1x2500x128xi32>
      %get3A_1468 = vector.shape_cast %get3A_1467 : vector<1x2500x128xi32> to vector<2500x128xi32>
      %mul3A_1469 = arith.constant 16 : i32
      %mul3A_1470 = vector.broadcast %mul3A_1469 : i32 to vector<2500x128xi32>
      %mul3A_1471 = arith.muli %get3A_1468, %mul3A_1470 : vector<2500x128xi32>
      %get3A_1472 = arith.constant 0 : index
      %get3A_1473 = arith.constant 0 : index
      %get3A_1474 = vector.load %arg6[%get3A_1472, %get3A_1473] : memref<2500x128xi32, #tpu.memory_space<vmem>>, vector<2500x128xi32>
      %add3A_1475 = arith.addi %mul3A_1471, %get3A_1474 : vector<2500x128xi32>
      %swap3A_1476 = arith.constant 0 : index
      %swap3A_1477 = arith.constant 0 : index
      %swap3A_1478 = vector.load %arg10[%swap3A_1476, %swap3A_1477] : memref<2500x128xi32, #tpu.memory_space<vmem>>, vector<2500x128xi32>
      tpu.vector_store %arg10[%swap3A_1476, %swap3A_1477], %add3A_1475 {strides = array<i32>} : memref<2500x128xi32, #tpu.memory_space<vmem>>, vector<2500x128xi32>,
    } else {
    }
    %get3A = arith.constant 0 : index
    %get3A_2 = arith.constant 0 : index
    %get3A_3 = vector.load %arg7[%get3A, %get3A_2] : memref<400x128xf32, #tpu.memory_space<vmem>>, vector<400x128xf32>
    %convert_element_type3A_4 = arith.truncf %get3A_3 : vector<400x128xf32> to vector<400x128xbf16>
    %get3A_5 = arith.constant 0 : index
    %get3A_6 = arith.constant 0 : index
    %get3A_7 = vector.load %arg11[%get3A_5, %get3A_6] : memref<128x2048xf32, #tpu.memory_space<vmem>>, vector<128x2048xf32>
    %convert_element_type3A_8 = arith.truncf %get3A_7 : vector<128x2048xf32> to vector<128x2048xbf16>
    %dot_general3A = arith.constant dense<0.000000e+00> : vector<400x2048xf32>
    %dot_general3A_9 = tpu.matmul %convert_element_type3A_4, %convert_element_type3A_8, %dot_general3A {dimension_numbers = #tpu.dot_dimension_numbers<[1], [0], [0], [1], [0, 0, 1, 1], [], []>, transpose_lhs_hint = false} : vector<400x128xbf16>, vector<128x2048xbf16>, vector<400x2048xf32> -> vector<400x2048xf32>
    %swap3A = arith.constant 0 : index
    %swap3A_10 = arith.constant 0 : index
    %swap3A_11 = vector.load %arg8[%swap3A, %swap3A_10] : memref<400x2048xf32, #tpu.memory_space<vmem>>, vector<400x2048xf32>
    tpu.vector_store %arg8[%swap3A, %swap3A_10], %dot_general3A_9 {strides = array<i32>} : memref<400x2048xf32, #tpu.memory_space<vmem>>, vector<400x2048xf32>,
    %get3A_12 = arith.constant 0 : index
    %get3A_13 = arith.constant 0 : index
    %get3A_14 = vector.load %arg3[%get3A_12, %get3A_13] : memref<128x128xf32, #tpu.memory_space<vmem>>, vector<128x128xf32>
    %convert_element_type3A_15 = arith.truncf %get3A_14 : vector<128x128xf32> to vector<128x128xbf16>
    %dot_general3A_16 = arith.constant dense<0.000000e+00> : vector<400x128xf32>
    %dot_general3A_17 = tpu.matmul %convert_element_type3A_4, %convert_element_type3A_15, %dot_general3A_16 {dimension_numbers = #tpu.dot_dimension_numbers<[1], [0], [0], [1], [0, 0, 1, 1], [], []>, transpose_lhs_hint = false} : vector<400x128xbf16>, vector<128x128xbf16>, vector<400x128xf32> -> vector<400x128xf32>
    %get3A_18 = arith.constant 0 : index
    %get3A_19 = arith.constant 0 : index
    %get3A_20 = vector.load %arg4[%get3A_18, %get3A_19] : memref<1x128xf32, #tpu.memory_space<vmem>>, vector<1x128xf32>
    %add3A = vector.broadcast %get3A_20 : vector<1x128xf32> to vector<400x128xf32>
    %add3A_21 = arith.addf %dot_general3A_17, %add3A : vector<400x128xf32>
    %swap3A_22 = arith.constant 0 : index
    %swap3A_23 = arith.constant 0 : index
    %swap3A_24 = vector.load %arg9[%swap3A_22, %swap3A_23] : memref<400x128xf32, #tpu.memory_space<vmem>>, vector<400x128xf32>
    tpu.vector_store %arg9[%swap3A_22, %swap3A_23], %add3A_21 {strides = array<i32>} : memref<400x128xf32, #tpu.memory_space<vmem>>, vector<400x128xf32>,
    return
  }
  func.func @transform_0(%arg0: i32) -> (i32, i32) {
    %c0_i32 = arith.constant 0 : i32
    %c0_i32_0 = arith.constant 0 : i32
    %c0_i32_1 = arith.constant 0 : i32
    return %c0_i32, %c0_i32_0 : i32, i32
  }
  func.func @transform_1(%arg0: i32) -> (i32, i32, i32) {
    %c0_i32 = arith.constant 0 : i32
    %c0_i32_0 = arith.constant 0 : i32
    %c0_i32_1 = arith.constant 0 : i32
    %c0_i32_2 = arith.constant 0 : i32
    return %c0_i32, %c0_i32_0, %c0_i32_1 : i32, i32, i32
  }
  func.func @transform_2(%arg0: i32) -> (i32, i32) {
    %c0_i32 = arith.constant 0 : i32
    %c0_i32_0 = arith.constant 0 : i32
    %c0_i32_1 = arith.constant 0 : i32
    return %c0_i32, %c0_i32_0 : i32, i32
  }
  func.func @transform_3(%arg0: i32) -> (i32, i32) {
    %c0_i32 = arith.constant 0 : i32
    %c0_i32_0 = arith.constant 0 : i32
    %c0_i32_1 = arith.constant 0 : i32
    return %c0_i32, %c0_i32_0 : i32, i32
  }
  func.func @transform_4(%arg0: i32) -> (i32, i32, i32) {
    %c0_i32 = arith.constant 0 : i32
    %c0_i32_0 = arith.constant 0 : i32
    %c0_i32_1 = arith.constant 0 : i32
    %c0_i32_2 = arith.constant 0 : i32
    return %c0_i32, %c0_i32_0, %c0_i32_1 : i32, i32, i32
  }
  func.func @transform_5(%arg0: i32) -> (i32, i32) {
    %c0_i32 = arith.constant 0 : i32
    %c0_i32_0 = arith.constant 0 : i32
    %c0_i32_1 = arith.constant 0 : i32
    return %c0_i32, %c0_i32_0 : i32, i32
  }
  func.func @transform_6(%arg0: i32) -> (i32, i32) {
    %c0_i32 = arith.constant 0 : i32
    %c0_i32_0 = arith.constant 0 : i32
    return %arg0, %c0_i32 : i32, i32
  }
  func.func @transform_7(%arg0: i32) -> (i32, i32) {
    %c0_i32 = arith.constant 0 : i32
    %c0_i32_0 = arith.constant 0 : i32
    return %arg0, %c0_i32 : i32, i32
  }
  func.func @transform_8(%arg0: i32) -> (i32, i32) {
    %c0_i32 = arith.constant 0 : i32
    %c0_i32_0 = arith.constant 0 : i32
    return %arg0, %c0_i32 : i32, i32
  }
  func.func @transform_9(%arg0: i32) -> (i32, i32) {
    %c0_i32 = arith.constant 0 : i32
    %c0_i32_0 = arith.constant 0 : i32
    %c0_i32_1 = arith.constant 0 : i32
    return %c0_i32, %c0_i32_0 : i32, i32
  }
}

module attributes {stable_mosaic.version = 14 : i64} {
  func.func @_final_body(%arg0: i32, %arg1: memref<1000x128xf32, #tpu.memory_space<vmem>>, %arg2: memref<2x1000x128xf32, #tpu.memory_space<vmem>>, %arg3: memref<1000x128xf32, #tpu.memory_space<vmem>>) attributes {dimension_semantics = [#tpu.dimension_semantics<arbitrary>], iteration_bounds = array<i64: 10>, scalar_prefetch = 0 : i64, scratch_operands = 0 : i64, tpu.core_type = #tpu.core_type<tc>, window_params = [{transform_indices = @transform_0, window_bounds = array<i64: 1000, 128>}, {transform_indices = @transform_1, window_bounds = array<i64: 2, 1000, 128>}, {transform_indices = @transform_2, window_bounds = array<i64: 1000, 128>}]} {
    %get3A = arith.constant 0 : index
    %get3A_0 = arith.constant 0 : index
    %get3A_1 = vector.load %arg1[%get3A, %get3A_0] : memref<1000x128xf32, #tpu.memory_space<vmem>>, vector<1000x128xf32>
    %get3A_2 = arith.constant 0 : index
    %get3A_3 = arith.constant 0 : index
    %get3A_4 = arith.constant 0 : index
    %get3A_5 = vector.load %arg2[%get3A_2, %get3A_3, %get3A_4] : memref<2x1000x128xf32, #tpu.memory_space<vmem>>, vector<1x1000x128xf32>
    %get3A_6 = vector.shape_cast %get3A_5 : vector<1x1000x128xf32> to vector<1000x128xf32>
    %add3A = arith.addf %get3A_1, %get3A_6 : vector<1000x128xf32>
    %get3A_7 = arith.constant 1 : index
    %get3A_8 = arith.constant 0 : index
    %get3A_9 = arith.constant 0 : index
    %get3A_10 = vector.load %arg2[%get3A_7, %get3A_8, %get3A_9] : memref<2x1000x128xf32, #tpu.memory_space<vmem>>, vector<1x1000x128xf32>
    %get3A_11 = vector.shape_cast %get3A_10 : vector<1x1000x128xf32> to vector<1000x128xf32>
    %add3A_12 = arith.addf %add3A, %get3A_11 : vector<1000x128xf32>
    %swap3A = arith.constant 0 : index
    %swap3A_13 = arith.constant 0 : index
    %swap3A_14 = vector.load %arg3[%swap3A, %swap3A_13] : memref<1000x128xf32, #tpu.memory_space<vmem>>, vector<1000x128xf32>
    tpu.vector_store %arg3[%swap3A, %swap3A_13], %add3A_12 {strides = array<i32>} : memref<1000x128xf32, #tpu.memory_space<vmem>>, vector<1000x128xf32>,
    return
  }
  func.func @transform_0(%arg0: i32) -> (i32, i32) {
    %c0_i32 = arith.constant 0 : i32
    %c0_i32_0 = arith.constant 0 : i32
    return %arg0, %c0_i32 : i32, i32
  }
  func.func @transform_1(%arg0: i32) -> (i32, i32, i32) {
    %c0_i32 = arith.constant 0 : i32
    %c0_i32_0 = arith.constant 0 : i32
    %c0_i32_1 = arith.constant 0 : i32
    return %c0_i32, %arg0, %c0_i32_0 : i32, i32, i32
  }
  func.func @transform_2(%arg0: i32) -> (i32, i32) {
    %c0_i32 = arith.constant 0 : i32
    %c0_i32_0 = arith.constant 0 : i32
    return %arg0, %c0_i32 : i32, i32
  }
}

</mosaic_0001>

<sc_bundles>
// kernel: kernel.5.cloned.1.call-start
scs
__scs_entry_jumppad:
0x0: {  	(pc) =	sbr.rel $0x88, $3  }
0x1: {  	(tag) =	ssettag $0x0;
	lr =	simm.s32 $0x1  }
0x2: {  	[smem:$0x3F9A] =	sst lr;
	_ =	strace $0xD0000000  }
0x3: {  	_ = 	snop  }
0x4: {  	_ = 	snop  }
0x5: {  	_ = 	snop  }
0x6: {  	_ = 	snop  }
0x7: {  	_ = 	snop  }
__scs_overlays_trampoline_lowered:
0x8: {  	[smem:$0x3FA9] =	sst s0  }
0x9: {  	[smem:$0x3FAA] =	sst s1  }
0xa: {  	[smem:$0x3FAB] =	sst s2  }
0xb: {  	[smem:$0x3FAC] =	sst s3  }
0xc: {  	[smem:$0x3FAD] =	sst s4  }
0xd: {  	[smem:$0x3FAE] =	sst s5  }
0xe: {  	[smem:$0x3FAF] =	sst s6  }
0xf: {  	[smem:$0x3FB0] =	sst s7  }
0x10: {  	[smem:$0x3FB1] =	sst s8  }
0x11: {  	[smem:$0x3FB2] =	sst s9;
	s0 =	simm.s32 @!p0 $0x0  }
0x12: {  	s1 =	sld [smem:$0x3F98];
	s0 =	simm.s32 @p0 $0x1  }
0x13: {  	[smem:$0x3FB3] =	sst s0;
	s0 =	simm.s32 @!p1 $0x0  }
0x14: {  	s2 =	sld [smem:$0x3F97];
	s0 =	simm.s32 @p1 $0x1  }
0x15: {  	[smem:$0x3FB4] =	sst s0;
	s0 =	simm.s32 @!p2 $0x0  }
0x16: {  	s3 =	sld [smem:$0x3FDB];
	s0 =	simm.s32 @p2 $0x1  }
0x17: {  	s4 =	simm.s32 $0x1BF5;
	[smem:$0x3FB6] =	sst s0  }
0x18: {  	s0 =	sld [smem:$0x3F99];
	_ =	swait.ge [sflag:s4], $0x0  }
0x19: {  	s7 =	sld [smem:$0x3F9A]  }
0x1a: {  	s8 =	sadd.s32 $0xFFFFE003, lr  }
0x1b: {  	s9 =	sadd.s32 $0xFFFFFEF7, lr;
	s5 =	simm.s32 $0xFFFFFFFF;
	p2 =	slt.u32 s8, $0xFFFFF086  }
0x1c: {  	p1 =	slt.u32 s9, $0xF7A;
	s5 =	simm.s32 @!p2 $0x0  }
0x1d: {  	s5 =	simm.s32 @p1 $0x1;
	p0 =	seq.s32 s7, s2  }
0x1e: {  	s7 =	smul.u32 @!p0 $0xF7A, s2;
	p2 =	seq.s32 @!p0 s5, $0x0  }
0x1f: {  	s9 =	smul.u32 $0xF7A, s1;
	s8 =	simm.s32 @!p0 $0x1BF5;
	p2 =	por !p2, p0  }
0x20: {  	[sflag:s8] =	ssyncset.s32 @!p0 $0xFFFFF086;
	s6 =	sadd.s32 @!p0 s3, s7;
	s7 =	simm.s32 @!p0 $0x108  }
0x21: {  	s3 =	sadd.s32 s3, s9;
	s6 =	sadd.s32 @!p0 $0x88, s6;
	s7 =	simm.s32 @p2 $0x1082  }
0x22: {  	[simem:s7], [sflag:s8] =	dma.local @!p0 [hbm:s6], $0xF7A  }
0x23: {  	s9 =	sor.u32 $0xD0000000, s2;
	s6 =	simm.s32 $0x108;
	_ =	swait.ge @!p0 [sflag:s8], $0x0  }
0x24: {  	s3 =	sadd.s32 $0x88, s3;
	s6 =	simm.s32 @!p1 $0x1082;
	[sflag:s4] =	ssyncset.s32 $0xFFFFF086  }
0x25: {  	[simem:s6], [sflag:s4] =	dma.local [hbm:s3], $0xF7A  }
0x26: {  	[smem:$0x3F9A] =	sst s1;
	(tag) =	ssettag s2;
	_ =	strace s9  }
0x27: {  	s1 =	sld [smem:$0x3FAA]  }
0x28: {  	s2 =	sld [smem:$0x3FAB]  }
0x29: {  	s4 =	sld [smem:$0x3FAD]  }
0x2a: {  	p0 =	seq.s32 s5, $0x0;
	s5 =	sld [smem:$0x3FAE]  }
0x2b: {  	s6 =	sld [smem:$0x3FAF]  }
0x2c: {  	s7 =	sld [smem:$0x3FB0]  }
0x2d: {  	s3 =	simm.s32 $0x108;
	s8 =	sld [smem:$0x3FB1]  }
0x2e: {  	s3 =	simm.s32 @!p0 $0x1082;
	s9 =	sld [smem:$0x3FB2]  }
0x2f: {  	lr =	sadd.s32 s0, s3;
	s0 =	sld [smem:$0x3FA9]  }
0x30: {  	s3 =	sld [smem:$0x3FAC]  }
0x31: {  	[smem:$0x3FB5] =	sst s10  }
0x32: {  	s10 =	sld [smem:$0x3FB3];
	_ =	sdelay $0x3  }
0x33: {  	p0 =	seq.s32 s10, $0x1;
	s10 =	sld [smem:$0x3FB5];
	_ =	sdelay $0x3  }
0x34: {  	[smem:$0x3FB5] =	sst s10  }
0x35: {  	s10 =	sld [smem:$0x3FB4];
	_ =	sdelay $0x3  }
0x36: {  	p1 =	seq.s32 s10, $0x1;
	s10 =	sld [smem:$0x3FB5];
	_ =	sdelay $0x3  }
0x37: {  	[smem:$0x3FB5] =	sst s10  }
0x38: {  	s10 =	sld [smem:$0x3FB6]  }
0x39: {  	_ = 	snop;
	(pc) =	sbr.ind lr, $3  }
0x3a: {  	_ = 	snop  }
0x3b: {  	_ = 	snop  }
0x3c: {  	p2 =	seq.s32 s10, $0x1;
	s10 =	sld [smem:$0x3FB5]  }
0x3d: {  	_ =	shalt  }
0x3e: {  	_ =	shalt  }
0x3f: {  	_ =	shalt  }
0x40: {  	_ =	shalt  }
0x41: {  	_ =	shalt  }
0x42: {  	_ =	shalt  }
0x43: {  	_ =	shalt  }
0x44: {  	_ =	shalt  }
0x45: {  	_ =	shalt  }
0x46: {  	_ =	shalt  }
0x47: {  	_ =	shalt  }
0x48: {  	_ =	shalt  }
0x49: {  	_ =	shalt  }
0x4a: {  	_ =	shalt  }
0x4b: {  	_ =	shalt  }
0x4c: {  	_ =	shalt  }
0x4d: {  	_ =	shalt  }
0x4e: {  	_ =	shalt  }
0x4f: {  	_ =	shalt  }
0x50: {  	_ =	shalt  }
0x51: {  	_ =	shalt  }
0x52: {  	_ =	shalt  }
0x53: {  	_ =	shalt  }
0x54: {  	_ =	shalt  }
0x55: {  	_ =	shalt  }
0x56: {  	_ =	shalt  }
0x57: {  	_ =	shalt  }
0x58: {  	_ =	shalt  }
0x59: {  	_ =	shalt  }
0x5a: {  	_ =	shalt  }
0x5b: {  	_ =	shalt  }
0x5c: {  	_ =	shalt  }
0x5d: {  	_ =	shalt  }
0x5e: {  	_ =	shalt  }
0x5f: {  	_ =	shalt  }
0x60: {  	_ =	shalt  }
0x61: {  	_ =	shalt  }
0x62: {  	_ =	shalt  }
0x63: {  	_ =	shalt  }
0x64: {  	_ =	shalt  }
0x65: {  	_ =	shalt  }
0x66: {  	_ =	shalt  }
0x67: {  	_ =	shalt  }
0x68: {  	_ =	shalt  }
0x69: {  	_ =	shalt  }
0x6a: {  	_ =	shalt  }
0x6b: {  	_ =	shalt  }
0x6c: {  	_ =	shalt  }
0x6d: {  	_ =	shalt  }
0x6e: {  	_ =	shalt  }
0x6f: {  	_ =	shalt  }
0x70: {  	_ =	shalt  }
0x71: {  	_ =	shalt  }
0x72: {  	_ =	shalt  }
0x73: {  	_ =	shalt  }
0x74: {  	_ =	shalt  }
0x75: {  	_ =	shalt  }
0x76: {  	_ =	shalt  }
0x77: {  	_ =	shalt  }
0x78: {  	_ =	shalt  }
0x79: {  	_ =	shalt  }
0x7a: {  	_ =	shalt  }
0x7b: {  	_ =	shalt  }
0x7c: {  	_ =	shalt  }
0x7d: {  	_ =	shalt  }
0x7e: {  	_ =	shalt  }
0x7f: {  	_ =	shalt  }
0x80: {  	_ =	shalt  }
0x81: {  	_ =	shalt  }
0x82: {  	_ =	shalt  }
0x83: {  	_ =	shalt  }
0x84: {  	_ =	shalt  }
0x85: {  	_ =	shalt  }
0x86: {  	_ =	shalt  }
0x87: {  	_ =	shalt  }
.Lfunc_end0:
.L_simem_size_0:
called_computation_lowered:
.L_overlay_start_0:
0x88: {  	s2 =	sld [smem:$0x3FD9]  }
0x89: {  	s3 =	sld [smem:$0x3FFE];
	_ =	sdelay $0x1  }
0x8a: {  	s1 =	srdreg.scid  }
0x8b: {  	s0 =	sand.u32 $0x1, s1  }
0x8c: {  	s17 =	sshll.u32 s0, $0xA;
	s2 =	sadd.s32 s3, s2  }
0x8d: {  	s2 =	sadd.s32 s2, s17  }
0x8e: {  	[smem:$0x3FC1] =	sst s2  }
0x8f: {  	_ = 	snop  }
0x90: {  	s2 =	sld [smem:$0x3FD0];
	(tm) =	ssettm $0x1  }
0x91: {  	s18 =	sld [smem:$0x3FFB];
	_ =	sdelay $0x3  }
0x92: {  	_ =	strace s18  }
0x93: {  	s3 =	sld [smem:$0x3FFC];
	_ =	sdelay $0x3  }
0x94: {  	_ =	strace s3  }
0x95: {  	s3 =	sld [smem:$0x3FFD];
	_ =	sdelay $0x3  }
0x96: {  	_ =	strace s3  }
0x97: {  	_ =	strace $0x8FFFFFFF  }
0x98: {  	s19 =	sld [smem:$0x3FDB];
	_ =	sdelay $0x1  }
0x99: {  	s4 =	simm.s32 $_scs_section_size  }
0x9a: {  	s5 =	simm.s32 $_size__tile_overlayer_lowered;
	s6 =	simm.s32 $_tile_overlayer_lowered  }
0x9b: {  	s22 =	simm.s32 $0x1BFF;
	s21 =	sshll.u32 s6, $0x1;
	s3 =	sadd.s32 s4, s19  }
0x9c: {  	s7 =	simm.s32 $0x0;
	s20 =	sshll.u32 s5, $0x1;
	s5 =	sadd.s32 s21, s3  }
0x9d: {  	[timem:s7], [sflag:s22] =	dma.local [hbm:s5], s20  }
0x9e: {  	_ =	swait.ge [sflag:s22], s20  }
0x9f: {  	s4 =	ssub.s32 $0x0, s20;
	[sflag:s22] =	ssyncset.done $0x0  }
0xa0: {  	[sflag:s22] =	ssyncadd.s32 s4;
	_ =	sdelay $0x1  }
0xa1: {  	s23 =	simm.s32 $0x1B8B  }
0xa2: {  	_ =	swait.ge [sflag:s23], $0x1  }
0xa3: {  	[sflag:s23] =	ssyncset.done $0x0  }
0xa4: {  	s25 =	simm.s32 $0x1B8E;
	s24 =	sld [smem:$0x3FFE];
	[sflag:s23] =	ssyncadd.s32 $0xFFFFFFFF  }
0xa5: {  	s26 =	simm.s32 $execute0_lowered;
	[smem:$0x3FD2] =	sst s25  }
0xa6: {  	s5 =	sshll.u32 s26, $0x1;
	_ =	strace $0x80000046;
	[dreg:$0x1] =	wrdreg $0xFFFFFFFF  }
0xa7: {  	s28 =	simm.s32 $_size_execute0_lowered;
	s3 =	sadd.s32 s3, s5;
	[dreg:$0x0] =	wrdreg $0x0  }
0xa8: {  	s5 =	sshll.u32 s28, $0x1;
	[dreg:$0x2] =	wrdreg s3  }
0xa9: {  	[dreg:$0x3] =	wrdreg s5  }
0xaa: {  	[dreg:$0x4] =	wrdreg $0xC0  }
0xab: {  	_ =	task [dreg:s7], $0x5FFFF  }
0xac: {  	[dreg:$0x1] =	wrdreg $0xFFFFFFFF  }
0xad: {  	[dreg:$0x0] =	wrdreg $0x60  }
0xae: {  	[dreg:$0x2] =	wrdreg s24  }
0xaf: {  	[dreg:$0x3] =	wrdreg s2  }
0xb0: {  	[dreg:$0x4] =	wrdreg $0xB7800  }
0xb1: {  	[dreg:$0x5] =	wrdreg $0x9  }
0xb2: {  	_ =	task.clear_ibuf [dreg:s7], $0x6FFFF;
	_ =	strace $0x90000046  }
0xb3: {  	s29 =	simm.s32 $0x9;
	_ =	strace $0x80000048  }
0xb4: {  	_ =	swait.ge [sflag:s29], $0x1  }
0xb5: {  	[sflag:s29] =	ssyncadd.s32 $0xFFFFFFFF  }
0xb6: {  	_ =	strace $0x90000048  }
0xb7: {  	_ =	sfence  }
0xb8: {  	s30 =	sld [smem:$0x0];
	_ =	sdelay $0x2  }
0xb9: {  	s31 =	sshll.u32 s1, $0xD;
	s1 =	sshrl.u32 s1, $0x2  }
0xba: {  	s3 =	sand.u32 $0x4000, s31;
	s1 =	sadd.s32 s1, s30  }
0xbb: {  	s0 =	sor.u32 s3, s0;
	s1 =	sshll.u32 s1, $0x11  }
0xbc: {  	s0 =	sor.u32 s1, s0  }
0xbd: {  	s0 =	sadd.s32 $0x8F2B, s0  }
0xbe: {  	[sflag:s0] =	ssyncadd.remote.s32 $0x1  }
0xbf: {  	_ =	sfence.sel $0xFFFF  }
0xc0: {  	[dreg:$0x0] =	wrdreg $0xFFFFFFFF;
	(pc) =	sbr.abs _section_cstart, $3  }
0xc1: {  	[dreg:$0x1] =	wrdreg $0xFFFFFFFF  }
0xc2: {  	_ =	task.clear_ibuf [dreg:s7], $0x2FFFF;
	_ =	strace $0x9FFFFFFF  }
0xc3: {  	(tm) =	ssettm $0x7FFFFFFF  }
tec
execute0_lowered:
.L_overlay_start_1:
0x0: {  	(tag) =	ssettag $0x1  }
0x1: {  	s1 =	rddreg [dreg:$0x0]  }
0x2: {  	s2 =	srdreg.scid;
	s0 =	stileid.u32  }
0x3: {  	s7 =	rddreg [dreg:$0x1];
	s19 =	simm.s32 $0x400;
	s20 =	simm.s32 $0x3  }
0x4: {  	s21 =	simm.s32 $0x2780;
	s22 =	simm.s32 $0x6780;
	s28 =	simm.s32 $0x6580  }
0x5: {  	s29 =	simm.s32 $0x0;
	s5 =	sand.u32 $0x1, s2;
	s24 =	smul.u32 $0x14000, s0  }
0x6: {  	s3 =	sshll.u32 s0, $0x1;
	s23 =	sshrl.u32 s0, $0x2;
	s11 =	smul.u32 $0x50000, s0  }
0x7: {  	s2 =	rddreg [dreg:$0x2];
	s6 =	sor.u32 s5, s3;
	s4 =	smul.u32 $0x13C00, s23  }
0x8: {  	s3 =	simm.s32 $0x0;
	s9 =	smul.u32 $0x140000, s5;
	s25 =	ssub.s32 $0x2, s5  }
0x9: {  	s5 =	sadd.s32 $0xB400, s1;
	s23 =	simm.s32 $0x50;
	s8 =	sshll.u32 s6, $0x7  }
0xa: {  	[smem:$0x7FF] =	sst s3;
	s26 =	sshrl.u32 s25, $0x1;
	s30 =	sshll.u32 s6, $0xB  }
0xb: {  	s31 =	sshrl.u32 s11, $0x2;
	s8 =	sand.u32 $0x380, s8;
	_ =	strace $0x80000047  }
0xc: {  	s17 =	ssub.s32 s25, s26;
	s25 =	simm.s32 $0x1;
	s26 =	simm.s32 $0x2  }
0xd: {  	s4 =	sor.u32 s4, s8;
	s8 =	sadd.s32 s24, s9;
	s17 =	smax.u32 s17, $0x1  }
0xe: {  	s24 =	simm.s32 $0x8F80;
	s10 =	sshrl.u32 s4, $0x3;
	s8 =	sshrl.u32 s8, $0x3  }
0xf: {  	s4 =	sadd.s32 $0x272600, s1;
	s10 =	sadd.s32 s10, s1;
	s1 =	sadd.s32 s8, s1  }
0x10: {  	s8 =	sadd.s32 s30, s7;
	s7 =	sadd.s32 s31, s2;
	s6 =	sadd.s32 $0x1600, s10  }
0x11: {  	s8 =	sadd.s32 $0x10000, s8;
	s9 =	sadd.s32 $0x2800, s7;
	s10 =	sadd.s32 $0x5000, s7  }
0x12: {  	s11 =	sadd.s32 $0x7800, s7;
	s12 =	sadd.s32 $0xA000, s7;
	s13 =	sadd.s32 $0xC800, s7  }
0x13: {  	s14 =	sadd.s32 $0xF000, s7;
	s15 =	sadd.s32 $0x11800, s7;
	s16 =	sadd.s32 $0xBA00, s1  }
.LBB2_1:
0x14: {  	s0 =	simm.s32 $0x80  }
0x15: {  	[tilespmem:s3], [sflag:$0x3] =	stream.strided.gather [hbm4b:s6+s0], $0x2780, s19, s0, $0x38;
	[tilespmem:$0x1F780] =	vst v63  }
0x16: {  	_ =	swait.ge [sflag:s20], $0x2780  }
0x17: {  	[sflag:s20] =	ssyncset.done $0x0  }
0x18: {  	[sflag:s20] =	ssyncadd.s32 $0xFFFFD880  }
0x19: {  	[tilespmem:s21], [sflag:$0x3] =	stream.linear.gather [hbm4b:s8+s3], $0x3E80, $0x38;
	[tilespmem:$0x1F780] =	vst v63  }
0x1a: {  	_ =	swait.ge [sflag:s20], $0x3E80  }
0x1b: {  	[sflag:s20] =	ssyncset.done $0x0  }
0x1c: {  	[sflag:s20] =	ssyncadd.s32 $0xFFFFC180  }
0x1d: {  	[tilespmem:s22], [sflag:$0x3] =	stream.linear.gather [hbm4b:s5+s3], $0x2800, $0x38;
	[tilespmem:$0x1F780] =	vst v63  }
0x1e: {  	_ =	swait.ge [sflag:s20], $0x2800  }
0x1f: {  	[sflag:s20] =	ssyncset.done $0x0  }
0x20: {  	[sflag:s20] =	ssyncadd.s32 $0xFFFFD800  }
0x21: {  	[spmem:s7] =	stream.linear.scatter [tilespmem:s22], [sflag:$0x3], $0x2800, $0x38;
	[tilespmem:$0x1F780] =	vst v63  }
0x22: {  	_ =	swait.ge [sflag:s20], $0x2800  }
0x23: {  	[sflag:s20] =	ssyncset.done $0x0  }
0x24: {  	[sflag:s20] =	ssyncadd.s32 $0xFFFFD800  }
0x25: {  	[spmem:s9] =	stream.linear.scatter [tilespmem:s22], [sflag:$0x3], $0x2800, $0x38;
	[tilespmem:$0x1F780] =	vst v63  }
0x26: {  	_ =	swait.ge [sflag:s20], $0x2800  }
0x27: {  	[sflag:s20] =	ssyncset.done $0x0  }
0x28: {  	[sflag:s20] =	ssyncadd.s32 $0xFFFFD800  }
0x29: {  	[spmem:s10] =	stream.linear.scatter [tilespmem:s22], [sflag:$0x3], $0x2800, $0x38;
	[tilespmem:$0x1F780] =	vst v63  }
0x2a: {  	_ =	swait.ge [sflag:s20], $0x2800  }
0x2b: {  	[sflag:s20] =	ssyncset.done $0x0  }
0x2c: {  	[sflag:s20] =	ssyncadd.s32 $0xFFFFD800  }
0x2d: {  	[spmem:s11] =	stream.linear.scatter [tilespmem:s22], [sflag:$0x3], $0x2800, $0x38;
	[tilespmem:$0x1F780] =	vst v63  }
0x2e: {  	_ =	swait.ge [sflag:s20], $0x2800  }
0x2f: {  	[sflag:s20] =	ssyncset.done $0x0  }
0x30: {  	[sflag:s20] =	ssyncadd.s32 $0xFFFFD800  }
0x31: {  	[spmem:s12] =	stream.linear.scatter [tilespmem:s22], [sflag:$0x3], $0x2800, $0x38;
	[tilespmem:$0x1F780] =	vst v63  }
0x32: {  	_ =	swait.ge [sflag:s20], $0x2800  }
0x33: {  	[sflag:s20] =	ssyncset.done $0x0  }
0x34: {  	[sflag:s20] =	ssyncadd.s32 $0xFFFFD800  }
0x35: {  	[spmem:s13] =	stream.linear.scatter [tilespmem:s22], [sflag:$0x3], $0x2800, $0x38;
	[tilespmem:$0x1F780] =	vst v63  }
0x36: {  	_ =	swait.ge [sflag:s20], $0x2800  }
0x37: {  	[sflag:s20] =	ssyncset.done $0x0  }
0x38: {  	[sflag:s20] =	ssyncadd.s32 $0xFFFFD800  }
0x39: {  	[spmem:s14] =	stream.linear.scatter [tilespmem:s22], [sflag:$0x3], $0x2800, $0x38;
	[tilespmem:$0x1F780] =	vst v63  }
0x3a: {  	_ =	swait.ge [sflag:s20], $0x2800  }
0x3b: {  	[sflag:s20] =	ssyncset.done $0x0  }
0x3c: {  	[sflag:s20] =	ssyncadd.s32 $0xFFFFD800  }
0x3d: {  	[spmem:s15] =	stream.linear.scatter [tilespmem:s22], [sflag:$0x3], $0x2800, $0x38;
	[tilespmem:$0x1F780] =	vst v63  }
0x3e: {  	_ =	swait.ge [sflag:s20], $0x2800  }
0x3f: {  	[sflag:s20] =	ssyncset.done $0x0  }
0x40: {  	[sflag:s20] =	ssyncadd.s32 $0xFFFFD800  }
0x41: {  	[bflag:$0x0] =	sbarrier.arrive $0xFFFF  }
0x42: {  	[tilespmem:s22], [sflag:$0x1] =	stream.indirect.gather [hbm4b:s4+s23], $0x80, s3, s23, $0xb8;
	[tilespmem:$0x1F780] =	vst v63  }
0x43: {  	s1 =	simm.s32 $0x50  }
0x44: {  	[tilespmem:s24], [sflag:$0x2] =	stream.indirect.gather [hbm4b:s4+s23], $0x80, s1, s23, $0xb8;
	[tilespmem:$0x1F780] =	vst v63  }
0x45: {  	_ =	swait.ge [sflag:s25], $0x2800  }
0x46: {  	[sflag:s25] =	ssyncset.done $0x0  }
0x47: {  	s18 =	simm.s32 $0x2780;
	[sflag:s25] =	ssyncadd.s32 $0xFFFFD800  }
0x48: {  	[spmem:s2] =	stream.indirect.scatter.add.f32 [tilespmem:s22], [sflag:$0x3], $0x80, s18, s23, $0xb8;
	[tilespmem:$0x1F780] =	vst v63  }
0x49: {  	_ =	swait.ge [sflag:s20], $0x2800  }
0x4a: {  	[sflag:s20] =	ssyncset.done $0x0  }
0x4b: {  	s0 =	simm.s32 $0xA0;
	[sflag:s20] =	ssyncadd.s32 $0xFFFFD800  }
0x4c: {  	[tilespmem:s22], [sflag:$0x1] =	stream.indirect.gather [hbm4b:s4+s23], $0x80, s0, s23, $0xb8;
	[tilespmem:$0x1F780] =	vst v63  }
0x4d: {  	_ =	swait.ge [sflag:s26], $0x2800  }
0x4e: {  	[sflag:s26] =	ssyncset.done $0x0  }
0x4f: {  	s18 =	simm.s32 $0x2800;
	[sflag:s26] =	ssyncadd.s32 $0xFFFFD800  }
0x50: {  	[spmem:s2] =	stream.indirect.scatter.add.f32 [tilespmem:s24], [sflag:$0x3], $0x80, s18, s23, $0xb8;
	[tilespmem:$0x1F780] =	vst v63  }
0x51: {  	s31 =	simm.s32 $0x400;
	_ =	swait.ge [sflag:s20], $0x2800  }
0x52: {  	s30 =	simm.s32 $0x140;
	s1 =	simm.s32 $0x800;
	[sflag:s20] =	ssyncset.done $0x0  }
.LBB2_2:
0x53: {  	p0 =	sne.s32 s1, $0xF400;
	s0 =	sadd.s32 $0xFFFFFFB0, s30;
	[sflag:s20] =	ssyncadd.s32 $0xFFFFD800  }
0x54: {  	[tilespmem:s24], [sflag:$0x2] =	stream.indirect.gather [hbm4b:s4+s23], $0x80, s0, s23, $0xb8;
	[tilespmem:$0x1F780] =	vst v63  }
0x55: {  	s0 =	smov.u32 s1;
	s1 =	sadd.s32 $0x400, s1;
	_ =	swait.ge [sflag:s25], $0x2800  }
0x56: {  	s18 =	sshra.s32 s31, $0x2;
	s31 =	smov.u32 s0;
	[sflag:s25] =	ssyncset.done $0x0  }
0x57: {  	s0 =	sadd.s32 $0x2780, s18;
	[sflag:s25] =	ssyncadd.s32 $0xFFFFD800  }
0x58: {  	[spmem:s2] =	stream.indirect.scatter.add.f32 [tilespmem:s22], [sflag:$0x3], $0x80, s0, s23, $0xb8;
	[tilespmem:$0x1F780] =	vst v63  }
0x59: {  	_ =	swait.ge [sflag:s20], $0x2800  }
0x5a: {  	[sflag:s20] =	ssyncset.done $0x0  }
0x5b: {  	[sflag:s20] =	ssyncadd.s32 $0xFFFFD800  }
0x5c: {  	[tilespmem:s22], [sflag:$0x1] =	stream.indirect.gather [hbm4b:s4+s23], $0x80, s30, s23, $0xb8;
	[tilespmem:$0x1F780] =	vst v63  }
0x5d: {  	_ =	swait.ge [sflag:s26], $0x2800  }
.Ltmp0:
0x5e: {  	[sflag:s26] =	ssyncset.done $0x0;
	(pc) =	sbr.rel @p0 .LBB2_2-.Ltmp0, $4  }
0x5f: {  	s0 =	sadd.s32 $0x2800, s18;
	[sflag:s26] =	ssyncadd.s32 $0xFFFFD800  }
0x60: {  	[spmem:s2] =	stream.indirect.scatter.add.f32 [tilespmem:s24], [sflag:$0x3], $0x80, s0, s23, $0xb8;
	[tilespmem:$0x1F780] =	vst v63  }
0x61: {  	_ =	swait.ge [sflag:s20], $0x2800  }
0x62: {  	s30 =	sadd.s32 $0xA0, s30;
	[sflag:s20] =	ssyncset.done $0x0  }
0x63: {  	s0 =	sadd.s32 $0xFFFFFFB0, s30;
	[sflag:s20] =	ssyncadd.s32 $0xFFFFD800  }
0x64: {  	[tilespmem:s24], [sflag:$0x2] =	stream.indirect.gather [hbm4b:s4+s23], $0x80, s0, s23, $0xb8;
	[tilespmem:$0x1F780] =	vst v63  }
0x65: {  	_ =	swait.ge [sflag:s25], $0x2800  }
0x66: {  	s18 =	sshra.s32 s31, $0x2;
	[sflag:s25] =	ssyncset.done $0x0  }
0x67: {  	s1 =	sadd.s32 $0x2780, s18;
	[sflag:s25] =	ssyncadd.s32 $0xFFFFD800  }
0x68: {  	[spmem:s2] =	stream.indirect.scatter.add.f32 [tilespmem:s22], [sflag:$0x3], $0x80, s1, s23, $0xb8;
	[tilespmem:$0x1F780] =	vst v63  }
0x69: {  	_ =	swait.ge [sflag:s20], $0x2800  }
0x6a: {  	[sflag:s20] =	ssyncset.done $0x0  }
0x6b: {  	[sflag:s20] =	ssyncadd.s32 $0xFFFFD800  }
0x6c: {  	[tilespmem:s22], [sflag:$0x1] =	stream.indirect.gather [hbm4b:s4+s23], $0x80, s30, s23, $0xb8;
	[tilespmem:$0x1F780] =	vst v63  }
0x6d: {  	_ =	swait.ge [sflag:s26], $0x2800  }
0x6e: {  	[sflag:s26] =	ssyncset.done $0x0  }
0x6f: {  	s0 =	sadd.s32 $0x2800, s18;
	[sflag:s26] =	ssyncadd.s32 $0xFFFFD800  }
0x70: {  	[spmem:s2] =	stream.indirect.scatter.add.f32 [tilespmem:s24], [sflag:$0x3], $0x80, s0, s23, $0xb8;
	[tilespmem:$0x1F780] =	vst v63  }
0x71: {  	_ =	swait.ge [sflag:s20], $0x2800  }
0x72: {  	[sflag:s20] =	ssyncset.done $0x0  }
0x73: {  	[sflag:s20] =	ssyncadd.s32 $0xFFFFD800  }
0x74: {  	_ =	swait.ge [sflag:s25], $0x2800  }
0x75: {  	[sflag:s25] =	ssyncset.done $0x0  }
0x76: {  	[sflag:s25] =	ssyncadd.s32 $0xFFFFD800  }
0x77: {  	[spmem:s2] =	stream.indirect.scatter.add.f32 [tilespmem:s22], [sflag:$0x3], $0x80, s28, s23, $0xb8;
	[tilespmem:$0x1F780] =	vst v63  }
0x78: {  	s31 =	sshrl.u32 s7, $0x3;
	_ =	swait.ge [sflag:s20], $0x2800  }
0x79: {  	s29 =	sadd.s32 $0x1, s29;
	s30 =	stileid.u32;
	[sflag:s20] =	ssyncset.done $0x0  }
0x7a: {  	p0 =	sne.s32 s29, s17;
	s0 =	sshll.u32 s30, $0x6;
	[sflag:s20] =	ssyncadd.s32 $0xFFFFD800  }
.Ltmp1:
0x7b: {  	s0 =	sor.u32 $0x1C03, s0;
	[bflag:$0x0] =	sbarrier.arrive $0xFFFF;
	(pc) =	sbr.rel @p0 .LBB2_1-.Ltmp1, $4  }
0x7c: {  	[hbm:s16], [sflag:s0] =	dma.local [spmem:s31], $0x2800  }
0x7d: {  	_ =	swait.ge [sflag:s20], $0x2800  }
0x7e: {  	[sflag:s20] =	ssyncset.done $0x0  }
0x7f: {  	[sflag:s20] =	ssyncadd.s32 $0xFFFFD800  }
0x80: {  	_ =	sfence.sel $0x180000  }
0x81: {  	[bflag:$0x0] =	sbarrier.arrive $0xFFFF  }
0x82: {  	_ =	strace $0x90000047  }
0x83: {  	s0 =	stileid.u32;
	[bflag:$0x2] =	sbarrier.arrive $0xFFFF  }
0x84: {  	p0 =	sne.s32 s0, $0x0;
	s0 =	rddreg [dreg:$0x3]  }
0x85: {  	s0 =	sadd.s32 @!p0 $0x100000, s0  }
0x86: {  	[sflag:s0] =	ssyncadd.tile.s32 @!p0 $0x1;
	_ =	shalt  }
.Lfunc_end2:
_tile_overlayer_lowered:
.L_overlay_start_2:
0x87: {  	(tag) =	ssettag $0x2  }
0x88: {  	s0 =	rddreg [dreg:$0x0];
	s2 =	stileid.u32  }
0x89: {  	s1 =	rddreg [dreg:$0x1];
	p0 =	sne.s32 s2, $0x0  }
0x8a: {  	s3 =	rddreg [dreg:$0x2];
	[bflag:$0x3] =	sbarrier.arrive $0xFFFF;
	s2 =	simm.s32 @!p0 $0x1C03  }
0x8b: {  	[timem:s3], [sflag:s2] =	dma.local @!p0 [hbm:s0], s1  }
0x8c: {  	s0 =	simm.s32 @!p0 $0x3  }
0x8d: {  	_ =	swait.ge @!p0 [sflag:s0], s1  }
0x8e: {  	s1 =	ssub.s32 @!p0 $0x0, s1;
	[sflag:s0] =	ssyncset.done @!p0 $0x0  }
0x8f: {  	[sflag:s0] =	ssyncadd.s32 @!p0 s1  }
0x90: {  	[bflag:$0x3] =	sbarrier.arrive $0xFFFF  }
0x91: {  	_ =	shalt  }

</sc_bundles>
